<compile_context>
chip_gen: v7x
topology: tpu7x:2x2x1
jax: 0.10.2.dev20260603
libtpu: 0.0.44.dev20260713+nightly
codegen_flags: <defaults>
</compile_context>

<pallas_src>
import jax
import jax.numpy as jnp
from jax import lax
from jax.experimental import pallas as pl
from jax.experimental.pallas import tpu as pltpu
from jax.experimental.pallas import tpu_sc as plsc

_B, _L = 4096, 50
_N = _B * _L
_LOC_DIM, _TIM_DIM, _ACT_DIM = 64, 32, 32
_LOC_W = _LOC_DIM // 2
_HID = 256
_TPAD = 304
_APAD = 16

_NC, _NS = 2, 16
_NW = _NC * _NS
_RPW = _N // _NW
_CH = 128
_NCH = _RPW // _CH
_GPB = 5
_RPB = _CH * _GPB
_NB = _RPW // _RPB

_BK = 8192


def _sc_body(xl_hbm, xtpk_hbm, loc_hbm, lout, xto, il, xv,
             rl0, rl1, sem0, sem1):
    wid = lax.axis_index("s") * _NC + lax.axis_index("c")
    pltpu.sync_copy(xl_hbm.at[wid], il)
    pltpu.sync_copy(xtpk_hbm.at[wid], xv)
    pltpu.sync_copy(xv, xto.at[pl.ds(wid * _RPW, _RPW)])

    bufs = ((rl0, sem0), (rl1, sem1))

    def issue(b, which):
        rl, sem = bufs[which]
        for j in range(_GPB):
            ci = _GPB * b + j
            s = pl.ds(j * _CH, _CH)
            pltpu.async_copy(loc_hbm.at[il.at[ci]], rl.at[s], sem)

    def drain_and_writeback(b, which):
        rl, sem = bufs[which]
        base = wid * _RPW + b * _RPB
        pltpu.make_async_copy(lout.at[pl.ds(base, _RPB)], rl, sem).wait()
        pltpu.sync_copy(rl, lout.at[pl.ds(base, _RPB)])

    issue(0, 0)
    for b in range(1, _NB):
        issue(b, b % 2)
        drain_and_writeback(b - 1, (b - 1) % 2)
    drain_and_writeback(_NB - 1, (_NB - 1) % 2)


def _sc_gather(xl, xtpk, loc_packed):
    mesh = plsc.VectorSubcoreMesh(core_axis_name="c", subcore_axis_name="s")
    kern = pl.kernel(
        _sc_body,
        out_type=(jax.ShapeDtypeStruct((_N, _LOC_W), jnp.int32),
                  jax.ShapeDtypeStruct((_N, 1), jnp.int32)),
        mesh=mesh,
        scratch_types=[
            pltpu.VMEM((_NCH, _CH), jnp.int32),
            pltpu.VMEM((_RPW, 1), jnp.int32),
            pltpu.VMEM((_RPB, _LOC_W), jnp.int32),
            pltpu.VMEM((_RPB, _LOC_W), jnp.int32),
            pltpu.SemaphoreType.DMA,
            pltpu.SemaphoreType.DMA,
        ],
        compiler_params=pltpu.CompilerParams(use_tc_tiling_on_sc=False),
    )
    return kern(xl, xtpk, loc_packed)


def _unpack(words):
    f32 = jnp.float32
    bf = jnp.bfloat16
    lo = lax.bitcast_convert_type(jnp.left_shift(words, 16), f32).astype(bf)
    hi = lax.bitcast_convert_type(
        jnp.bitwise_and(words, jnp.int32(-65536)), f32).astype(bf)
    return lo, hi


def _mlp_body(lp_ref, xtpk_ref, wt, wa, w1, b1, w2, b2, w3, b3,
              w4, b4, w5, b5, o_ref):
    f32 = jnp.float32
    bf = jnp.bfloat16
    l_lo, l_hi = _unpack(lp_ref[...])
    xtpk = xtpk_ref[...]
    xt = jnp.right_shift(xtpk, 4)
    xa = jnp.bitwise_and(xtpk, 15)
    oht = (lax.broadcasted_iota(jnp.int32, (_BK, _TPAD), 1) == xt).astype(bf)
    oha = (lax.broadcasted_iota(jnp.int32, (_BK, _APAD), 1) == xa).astype(bf)
    temb = jnp.dot(oht, wt[...], preferred_element_type=f32).astype(bf)
    aemb = jnp.dot(oha, wa[...], preferred_element_type=f32).astype(bf)
    x = jnp.concatenate([l_lo, l_hi, temb, aemb], axis=1)
    h = jnp.dot(x, w1[...], preferred_element_type=f32)
    h = jnp.maximum(h.astype(bf) + b1[...], 0)
    h = jnp.maximum(jnp.dot(h, w2[...], preferred_element_type=f32).astype(bf) + b2[...], 0)
    h = jnp.maximum(jnp.dot(h, w3[...], preferred_element_type=f32).astype(bf) + b3[...], 0)
    h = jnp.maximum(jnp.dot(h, w4[...], preferred_element_type=f32) + b4[...], 0.0)
    z = jnp.sum(h.reshape(_BK // 128, 128, _HID) * w5[...], axis=2) + b5[...]
    o_ref[...] = 1.0 / (1.0 + jnp.exp(-z))


def _mlp(lemb, xtpk, wt, wa, W1, b1, W2, b2, W3, b3, W4, b4, w5t, b5):
    full = lambda shape: pl.BlockSpec(shape, lambda i: tuple(0 for _ in shape))
    return pl.pallas_call(
        _mlp_body,
        grid=(_N // _BK,),
        in_specs=[
            pl.BlockSpec((_BK, _LOC_W), lambda i: (i, 0)),
            pl.BlockSpec((_BK, 1), lambda i: (i, 0)),
            full((_TPAD, _TIM_DIM)),
            full((_APAD, _ACT_DIM)),
            full((_LOC_DIM + _TIM_DIM + _ACT_DIM, _HID)),
            full((1, _HID)),
            full((_HID, _HID)),
            full((1, _HID)),
            full((_HID, _HID)),
            full((1, _HID)),
            full((_HID, _HID)),
            full((1, _HID)),
            full((1, 1, _HID)),
            full((1, 1)),
        ],
        out_specs=pl.BlockSpec((_BK // 128, 128), lambda i: (i, 0)),
        out_shape=jax.ShapeDtypeStruct((_N // 128, 128), jnp.float32),
        compiler_params=pltpu.CompilerParams(
            dimension_semantics=("arbitrary",),
        ),
    )(lemb, xtpk, wt, wa, W1, b1, W2, b2, W3, b3, W4, b4, w5t, b5)


def _pack_bf16(table):
    rows, dim = table.shape
    return lax.bitcast_convert_type(
        table.astype(jnp.bfloat16).reshape(rows, dim // 2, 2), jnp.int32)


def _evenodd(w):
    return jnp.concatenate([w[0::2], w[1::2]], axis=0)


def kernel(x_l, x_t, x_a, loc_table, tim_table, act_table,
           W1, b1, W2, b2, W3, b3, W4, b4, W5, b5):
    bf = jnp.bfloat16
    xl = x_l.reshape(_NW, _NCH, _CH)
    xtpk = (x_t * 16 + x_a).reshape(_NW, _RPW, 1)
    lemb, xto = _sc_gather(xl, xtpk, _pack_bf16(loc_table))

    w1perm = jnp.concatenate(
        [_evenodd(W1[:_LOC_DIM]), W1[_LOC_DIM:]], axis=0).astype(bf)
    wt = jnp.pad(tim_table, ((0, _TPAD - tim_table.shape[0]), (0, 0))).astype(bf)
    wa = jnp.pad(act_table, ((0, _APAD - act_table.shape[0]), (0, 0))).astype(bf)

    out = _mlp(
        lemb, xto, wt, wa, w1perm,
        b1.reshape(1, _HID).astype(bf), W2.astype(bf),
        b2.reshape(1, _HID).astype(bf), W3.astype(bf),
        b3.reshape(1, _HID).astype(bf), W4.astype(bf),
        b4.reshape(1, _HID), W5.reshape(1, 1, _HID), b5.reshape(1, 1),
    )
    return out.reshape(_B, _L, 1)

# --- scband reference (transcript-rebuilt; emitter-appended) ---
"""Pipeline reference for scband-discriminator-40192303956548 (READ-ONLY COPY).

The authoritative reference and input builder live on the scoring server;
editing this copy changes nothing except your own understanding.
"""

import jax, jax.numpy as jnp
import numpy as np

TOTAL_LOCATIONS = 100000
TIME_SCALE = 300
N_ACT = 9
LOC_DIM = 64
TIM_DIM = 32
ACT_DIM = 32
EMB_DIM = LOC_DIM + TIM_DIM + ACT_DIM
HID = 256
B, L = 4096, 50


def setup_inputs(seed: int = 0) -> dict:
    key = jax.random.key(seed)
    ks = [jax.random.fold_in(key, i) for i in range(20)]
    inp = {}
    inp['x_l'] = jax.random.randint(ks[0], (B, L), 0, TOTAL_LOCATIONS, dtype=jnp.int64 if jax.config.jax_enable_x64 else jnp.int32).astype(jnp.int32)
    inp['x_t'] = jax.random.randint(ks[1], (B, L), 0, TIME_SCALE).astype(jnp.int32)
    inp['x_a'] = jax.random.randint(ks[2], (B, L), 0, N_ACT).astype(jnp.int32)
    # learned parameters
    inp['loc_table'] = jax.random.normal(ks[3], (TOTAL_LOCATIONS, LOC_DIM), dtype=jnp.float32) * 0.02
    inp['tim_table'] = jax.random.normal(ks[4], (TIME_SCALE, TIM_DIM), dtype=jnp.float32) * 0.02
    inp['act_table'] = jax.random.normal(ks[5], (N_ACT, ACT_DIM), dtype=jnp.float32) * 0.02
    inp['W1'] = jax.random.normal(ks[6], (EMB_DIM, HID), dtype=jnp.float32) * (1.0 / np.sqrt(EMB_DIM))
    inp['b1'] = jnp.zeros((HID,), dtype=jnp.float32)
    inp['W2'] = jax.random.normal(ks[7], (HID, HID), dtype=jnp.float32) * (1.0 / np.sqrt(HID))
    inp['b2'] = jnp.zeros((HID,), dtype=jnp.float32)
    inp['W3'] = jax.random.normal(ks[8], (HID, HID), dtype=jnp.float32) * (1.0 / np.sqrt(HID))
    inp['b3'] = jnp.zeros((HID,), dtype=jnp.float32)
    inp['W4'] = jax.random.normal(ks[9], (HID, HID), dtype=jnp.float32) * (1.0 / np.sqrt(HID))
    inp['b4'] = jnp.zeros((HID,), dtype=jnp.float32)
    inp['W5'] = jax.random.normal(ks[10], (HID, 1), dtype=jnp.float32) * (1.0 / np.sqrt(HID))
    inp['b5'] = jnp.zeros((1,), dtype=jnp.float32)
    return inp


def reference(x_l, x_t, x_a, loc_table, tim_table, act_table, W1, b1, W2, b2, W3, b3, W4, b4, W5, b5):
    lemb = jnp.take(loc_table, x_l, axis=0)
    temb = jnp.take(tim_table, x_t, axis=0)
    aemb = jnp.take(act_table, x_a, axis=0)
    x = jnp.concatenate([lemb, temb, aemb], axis=-1)
    h = jax.nn.relu(x @ W1 + b1)
    h = jax.nn.relu(h @ W2 + b2)
    h = jax.nn.relu(h @ W3 + b3)
    h = jax.nn.relu(h @ W4 + b4)
    reward = jax.nn.sigmoid(h @ W5 + b5)
    return reward

if __name__ == "__main__":
    import jax
    _d = setup_inputs()
    print(jax.jit(kernel)(*tuple(_d.values())))

</pallas_src>

<mosaic_0001>
#map = affine_map<(d0, d1) -> (0, 0, 0)>
#map1 = affine_map<(d0, d1) -> (0, 0)>
module attributes {stable_mosaic.version = 14 : i64} {
  func.func @_sc_body(%arg0: i32, %arg1: i32, %arg2: memref<32x50x128xi32, #tpu.memory_space<hbm>>, %arg3: memref<32x6400x1xi32, #tpu.memory_space<hbm>>, %arg4: memref<100000x32xi32, #tpu.memory_space<hbm>>, %arg5: memref<204800x32xi32, #tpu.memory_space<hbm>>, %arg6: memref<204800x1xi32, #tpu.memory_space<hbm>>, %arg7: memref<50x128xi32, #tpu.memory_space<vmem>>, %arg8: memref<6400x1xi32, #tpu.memory_space<vmem>>, %arg9: memref<640x32xi32, #tpu.memory_space<vmem>>, %arg10: memref<640x32xi32, #tpu.memory_space<vmem>>, %arg11: memref<!tpu.dma_semaphore, #tpu.memory_space<semaphore_mem>>, %arg12: memref<!tpu.dma_semaphore, #tpu.memory_space<semaphore_mem>>) attributes {dimension_semantics = [#tpu.dimension_semantics<core_parallel>, #tpu.dimension_semantics<subcore_parallel>], iteration_bounds = array<i64: 2, 16>, scalar_prefetch = 0 : i64, scratch_operands = 6 : i64, tpu.core_type = #tpu.core_type<sc_vector_subcore>, window_params = [{transform_indices = #map}, {transform_indices = #map}, {transform_indices = #map1}, {transform_indices = #map1}, {transform_indices = #map1}]} {
    %mul3A = arith.constant 2 : i32
    %mul3A_0 = arith.muli %arg1, %mul3A : i32
    %add3A = arith.addi %mul3A_0, %arg0 : i32
    "tpu.region"() ({
      %run_scoped3A = tpu.sem_alloc : memref<!tpu.dma_semaphore, #tpu.memory_space<semaphore_mem>>
      %dma_start3A_581 = arith.constant 0 : i32
      %dma_start3A_582 = arith.constant 0 : i32
      %dma_start3A_583 = tpu.memref_slice %arg2[%add3A, %dma_start3A_581, %dma_start3A_582] : memref<32x50x128xi32, #tpu.memory_space<hbm>> -> memref<1x50x128xi32, #tpu.memory_space<hbm>>
      %dma_start3A_584 = tpu.memref_squeeze %dma_start3A_583 : memref<1x50x128xi32, #tpu.memory_space<hbm>> -> memref<50x128xi32, #tpu.memory_space<hbm>>
      %dma_start3A_585 = arith.constant 0 : i32
      %dma_start3A_586 = arith.constant 0 : i32
      %dma_start3A_587 = tpu.memref_slice %arg2[%add3A, %dma_start3A_585, %dma_start3A_586] : memref<32x50x128xi32, #tpu.memory_space<hbm>> -> memref<1x50x128xi32, #tpu.memory_space<hbm>>
      %dma_start3A_588 = tpu.memref_squeeze %dma_start3A_587 : memref<1x50x128xi32, #tpu.memory_space<hbm>> -> memref<50x128xi32, #tpu.memory_space<hbm>>
      tpu.enqueue_dma source(%dma_start3A_588 : memref<50x128xi32, #tpu.memory_space<hbm>>) target(%arg7 : memref<50x128xi32, #tpu.memory_space<vmem>>) target_semaphore(%run_scoped3A : memref<!tpu.dma_semaphore, #tpu.memory_space<semaphore_mem>>)
      %dma_wait3A_589 = arith.constant 0 : i32
      %dma_wait3A_590 = arith.constant 0 : i32
      %dma_wait3A_591 = tpu.memref_slice %arg2[%add3A, %dma_wait3A_589, %dma_wait3A_590] : memref<32x50x128xi32, #tpu.memory_space<hbm>> -> memref<1x50x128xi32, #tpu.memory_space<hbm>>
      %dma_wait3A_592 = tpu.memref_squeeze %dma_wait3A_591 : memref<1x50x128xi32, #tpu.memory_space<hbm>> -> memref<50x128xi32, #tpu.memory_space<hbm>>
      %dma_wait3A_593 = arith.constant 0 : i32
      %dma_wait3A_594 = arith.constant 0 : i32
      %dma_wait3A_595 = tpu.memref_slice %arg2[%add3A, %dma_wait3A_593, %dma_wait3A_594] : memref<32x50x128xi32, #tpu.memory_space<hbm>> -> memref<1x50x128xi32, #tpu.memory_space<hbm>>
      %dma_wait3A_596 = tpu.memref_squeeze %dma_wait3A_595 : memref<1x50x128xi32, #tpu.memory_space<hbm>> -> memref<50x128xi32, #tpu.memory_space<hbm>>
      tpu.wait_dma2 semaphore(%run_scoped3A : memref<!tpu.dma_semaphore, #tpu.memory_space<semaphore_mem>>) src(%dma_wait3A_596 : memref<50x128xi32, #tpu.memory_space<hbm>>) dst(%arg7 : memref<50x128xi32, #tpu.memory_space<vmem>>)
      tpu.yield
    }) : () -> ()
    "tpu.region"() ({
      %run_scoped3A = tpu.sem_alloc : memref<!tpu.dma_semaphore, #tpu.memory_space<semaphore_mem>>
      %dma_start3A_581 = arith.constant 0 : i32
      %dma_start3A_582 = arith.constant 0 : i32
      %dma_start3A_583 = tpu.memref_slice %arg3[%add3A, %dma_start3A_581, %dma_start3A_582] : memref<32x6400x1xi32, #tpu.memory_space<hbm>> -> memref<1x6400x1xi32, #tpu.memory_space<hbm>>
      %dma_start3A_584 = tpu.memref_squeeze %dma_start3A_583 : memref<1x6400x1xi32, #tpu.memory_space<hbm>> -> memref<6400x1xi32, #tpu.memory_space<hbm>>
      %dma_start3A_585 = arith.constant 0 : i32
      %dma_start3A_586 = arith.constant 0 : i32
      %dma_start3A_587 = tpu.memref_slice %arg3[%add3A, %dma_start3A_585, %dma_start3A_586] : memref<32x6400x1xi32, #tpu.memory_space<hbm>> -> memref<1x6400x1xi32, #tpu.memory_space<hbm>>
      %dma_start3A_588 = tpu.memref_squeeze %dma_start3A_587 : memref<1x6400x1xi32, #tpu.memory_space<hbm>> -> memref<6400x1xi32, #tpu.memory_space<hbm>>
      tpu.enqueue_dma source(%dma_start3A_588 : memref<6400x1xi32, #tpu.memory_space<hbm>>) target(%arg8 : memref<6400x1xi32, #tpu.memory_space<vmem>>) target_semaphore(%run_scoped3A : memref<!tpu.dma_semaphore, #tpu.memory_space<semaphore_mem>>)
      %dma_wait3A_589 = arith.constant 0 : i32
      %dma_wait3A_590 = arith.constant 0 : i32
      %dma_wait3A_591 = tpu.memref_slice %arg3[%add3A, %dma_wait3A_589, %dma_wait3A_590] : memref<32x6400x1xi32, #tpu.memory_space<hbm>> -> memref<1x6400x1xi32, #tpu.memory_space<hbm>>
      %dma_wait3A_592 = tpu.memref_squeeze %dma_wait3A_591 : memref<1x6400x1xi32, #tpu.memory_space<hbm>> -> memref<6400x1xi32, #tpu.memory_space<hbm>>
      %dma_wait3A_593 = arith.constant 0 : i32
      %dma_wait3A_594 = arith.constant 0 : i32
      %dma_wait3A_595 = tpu.memref_slice %arg3[%add3A, %dma_wait3A_593, %dma_wait3A_594] : memref<32x6400x1xi32, #tpu.memory_space<hbm>> -> memref<1x6400x1xi32, #tpu.memory_space<hbm>>
      %dma_wait3A_596 = tpu.memref_squeeze %dma_wait3A_595 : memref<1x6400x1xi32, #tpu.memory_space<hbm>> -> memref<6400x1xi32, #tpu.memory_space<hbm>>
      tpu.wait_dma2 semaphore(%run_scoped3A : memref<!tpu.dma_semaphore, #tpu.memory_space<semaphore_mem>>) src(%dma_wait3A_596 : memref<6400x1xi32, #tpu.memory_space<hbm>>) dst(%arg8 : memref<6400x1xi32, #tpu.memory_space<vmem>>)
      tpu.yield
    }) : () -> ()
    %mul3A_1 = arith.constant 6400 : i32
    %mul3A_2 = arith.muli %add3A, %mul3A_1 : i32
    "tpu.region"() ({
      %run_scoped3A = tpu.sem_alloc : memref<!tpu.dma_semaphore, #tpu.memory_space<semaphore_mem>>
      %dma_start3A_581 = arith.constant 0 : i32
      %dma_start3A_582 = tpu.memref_slice %arg6[%mul3A_2, %dma_start3A_581] : memref<204800x1xi32, #tpu.memory_space<hbm>> -> memref<6400x1xi32, #tpu.memory_space<hbm>>
      %dma_start3A_583 = arith.constant 0 : i32
      %dma_start3A_584 = tpu.memref_slice %arg6[%mul3A_2, %dma_start3A_583] : memref<204800x1xi32, #tpu.memory_space<hbm>> -> memref<6400x1xi32, #tpu.memory_space<hbm>>
      tpu.enqueue_dma source(%arg8 : memref<6400x1xi32, #tpu.memory_space<vmem>>) target(%dma_start3A_584 : memref<6400x1xi32, #tpu.memory_space<hbm>>) target_semaphore(%run_scoped3A : memref<!tpu.dma_semaphore, #tpu.memory_space<semaphore_mem>>)
      %dma_wait3A_585 = arith.constant 0 : i32
      %dma_wait3A_586 = tpu.memref_slice %arg6[%mul3A_2, %dma_wait3A_585] : memref<204800x1xi32, #tpu.memory_space<hbm>> -> memref<6400x1xi32, #tpu.memory_space<hbm>>
      %dma_wait3A_587 = arith.constant 0 : i32
      %dma_wait3A_588 = tpu.memref_slice %arg6[%mul3A_2, %dma_wait3A_587] : memref<204800x1xi32, #tpu.memory_space<hbm>> -> memref<6400x1xi32, #tpu.memory_space<hbm>>
      tpu.wait_dma2 semaphore(%run_scoped3A : memref<!tpu.dma_semaphore, #tpu.memory_space<semaphore_mem>>) src(%arg8 : memref<6400x1xi32, #tpu.memory_space<vmem>>) dst(%dma_wait3A_588 : memref<6400x1xi32, #tpu.memory_space<hbm>>)
      tpu.yield
    }) : () -> ()
    %dma_start3A = arith.constant 0 : i32
    %dma_start3A_3 = arith.constant 0 : i32
    %dma_start3A_4 = arith.constant 0 : i32
    %dma_start3A_5 = tpu.memref_slice %arg9[%dma_start3A_3, %dma_start3A_4] : memref<640x32xi32, #tpu.memory_space<vmem>> -> memref<128x32xi32, #tpu.memory_space<vmem>>
    %dma_start3A_6 = arith.constant 0 : i32
    %dma_start3A_7 = tpu.memref_slice %arg7[%dma_start3A, %dma_start3A_6] : memref<50x128xi32, #tpu.memory_space<vmem>> -> memref<1x128xi32, #tpu.memory_space<vmem>>
    %dma_start3A_8 = tpu.memref_squeeze %dma_start3A_7 : memref<1x128xi32, #tpu.memory_space<vmem>> -> memref<128xi32, #tpu.memory_space<vmem>>
    %dma_start3A_9 = arith.constant 0 : i32
    %dma_start3A_10 = arith.constant 0 : i32
    %dma_start3A_11 = tpu.memref_slice %arg4[%dma_start3A_9, %dma_start3A_10] : memref<100000x32xi32, #tpu.memory_space<hbm>> -> memref<100000x32xi32, #tpu.memory_space<hbm>>
    tpu.enqueue_indirect_dma source(%dma_start3A_11 : memref<100000x32xi32, #tpu.memory_space<hbm>>) target(%dma_start3A_5 : memref<128x32xi32, #tpu.memory_space<vmem>>) offsets(%dma_start3A_8 : memref<128xi32, #tpu.memory_space<vmem>>) semaphore(%arg11 : memref<!tpu.dma_semaphore, #tpu.memory_space<semaphore_mem>>)
    %dma_start3A_12 = arith.constant 1 : i32
    %dma_start3A_13 = arith.constant 128 : i32
    %dma_start3A_14 = arith.constant 0 : i32
    %dma_start3A_15 = tpu.memref_slice %arg9[%dma_start3A_13, %dma_start3A_14] : memref<640x32xi32, #tpu.memory_space<vmem>> -> memref<128x32xi32, #tpu.memory_space<vmem>>
    %dma_start3A_16 = arith.constant 0 : i32
    %dma_start3A_17 = tpu.memref_slice %arg7[%dma_start3A_12, %dma_start3A_16] : memref<50x128xi32, #tpu.memory_space<vmem>> -> memref<1x128xi32, #tpu.memory_space<vmem>>
    %dma_start3A_18 = tpu.memref_squeeze %dma_start3A_17 : memref<1x128xi32, #tpu.memory_space<vmem>> -> memref<128xi32, #tpu.memory_space<vmem>>
    %dma_start3A_19 = arith.constant 0 : i32
    %dma_start3A_20 = arith.constant 0 : i32
    %dma_start3A_21 = tpu.memref_slice %arg4[%dma_start3A_19, %dma_start3A_20] : memref<100000x32xi32, #tpu.memory_space<hbm>> -> memref<100000x32xi32, #tpu.memory_space<hbm>>
    tpu.enqueue_indirect_dma source(%dma_start3A_21 : memref<100000x32xi32, #tpu.memory_space<hbm>>) target(%dma_start3A_15 : memref<128x32xi32, #tpu.memory_space<vmem>>) offsets(%dma_start3A_18 : memref<128xi32, #tpu.memory_space<vmem>>) semaphore(%arg11 : memref<!tpu.dma_semaphore, #tpu.memory_space<semaphore_mem>>)
    %dma_start3A_22 = arith.constant 2 : i32
    %dma_start3A_23 = arith.constant 256 : i32
    %dma_start3A_24 = arith.constant 0 : i32
    %dma_start3A_25 = tpu.memref_slice %arg9[%dma_start3A_23, %dma_start3A_24] : memref<640x32xi32, #tpu.memory_space<vmem>> -> memref<128x32xi32, #tpu.memory_space<vmem>>
    %dma_start3A_26 = arith.constant 0 : i32
    %dma_start3A_27 = tpu.memref_slice %arg7[%dma_start3A_22, %dma_start3A_26] : memref<50x128xi32, #tpu.memory_space<vmem>> -> memref<1x128xi32, #tpu.memory_space<vmem>>
    %dma_start3A_28 = tpu.memref_squeeze %dma_start3A_27 : memref<1x128xi32, #tpu.memory_space<vmem>> -> memref<128xi32, #tpu.memory_space<vmem>>
    %dma_start3A_29 = arith.constant 0 : i32
    %dma_start3A_30 = arith.constant 0 : i32
    %dma_start3A_31 = tpu.memref_slice %arg4[%dma_start3A_29, %dma_start3A_30] : memref<100000x32xi32, #tpu.memory_space<hbm>> -> memref<100000x32xi32, #tpu.memory_space<hbm>>
    tpu.enqueue_indirect_dma source(%dma_start3A_31 : memref<100000x32xi32, #tpu.memory_space<hbm>>) target(%dma_start3A_25 : memref<128x32xi32, #tpu.memory_space<vmem>>) offsets(%dma_start3A_28 : memref<128xi32, #tpu.memory_space<vmem>>) semaphore(%arg11 : memref<!tpu.dma_semaphore, #tpu.memory_space<semaphore_mem>>)
    %dma_start3A_32 = arith.constant 3 : i32
    %dma_start3A_33 = arith.constant 384 : i32
    %dma_start3A_34 = arith.constant 0 : i32
    %dma_start3A_35 = tpu.memref_slice %arg9[%dma_start3A_33, %dma_start3A_34] : memref<640x32xi32, #tpu.memory_space<vmem>> -> memref<128x32xi32, #tpu.memory_space<vmem>>
    %dma_start3A_36 = arith.constant 0 : i32
    %dma_start3A_37 = tpu.memref_slice %arg7[%dma_start3A_32, %dma_start3A_36] : memref<50x128xi32, #tpu.memory_space<vmem>> -> memref<1x128xi32, #tpu.memory_space<vmem>>
    %dma_start3A_38 = tpu.memref_squeeze %dma_start3A_37 : memref<1x128xi32, #tpu.memory_space<vmem>> -> memref<128xi32, #tpu.memory_space<vmem>>
    %dma_start3A_39 = arith.constant 0 : i32
    %dma_start3A_40 = arith.constant 0 : i32
    %dma_start3A_41 = tpu.memref_slice %arg4[%dma_start3A_39, %dma_start3A_40] : memref<100000x32xi32, #tpu.memory_space<hbm>> -> memref<100000x32xi32, #tpu.memory_space<hbm>>
    tpu.enqueue_indirect_dma source(%dma_start3A_41 : memref<100000x32xi32, #tpu.memory_space<hbm>>) target(%dma_start3A_35 : memref<128x32xi32, #tpu.memory_space<vmem>>) offsets(%dma_start3A_38 : memref<128xi32, #tpu.memory_space<vmem>>) semaphore(%arg11 : memref<!tpu.dma_semaphore, #tpu.memory_space<semaphore_mem>>)
    %dma_start3A_42 = arith.constant 4 : i32
    %dma_start3A_43 = arith.constant 512 : i32
    %dma_start3A_44 = arith.constant 0 : i32
    %dma_start3A_45 = tpu.memref_slice %arg9[%dma_start3A_43, %dma_start3A_44] : memref<640x32xi32, #tpu.memory_space<vmem>> -> memref<128x32xi32, #tpu.memory_space<vmem>>
    %dma_start3A_46 = arith.constant 0 : i32
    %dma_start3A_47 = tpu.memref_slice %arg7[%dma_start3A_42, %dma_start3A_46] : memref<50x128xi32, #tpu.memory_space<vmem>> -> memref<1x128xi32, #tpu.memory_space<vmem>>
    %dma_start3A_48 = tpu.memref_squeeze %dma_start3A_47 : memref<1x128xi32, #tpu.memory_space<vmem>> -> memref<128xi32, #tpu.memory_space<vmem>>
    %dma_start3A_49 = arith.constant 0 : i32
    %dma_start3A_50 = arith.constant 0 : i32
    %dma_start3A_51 = tpu.memref_slice %arg4[%dma_start3A_49, %dma_start3A_50] : memref<100000x32xi32, #tpu.memory_space<hbm>> -> memref<100000x32xi32, #tpu.memory_space<hbm>>
    tpu.enqueue_indirect_dma source(%dma_start3A_51 : memref<100000x32xi32, #tpu.memory_space<hbm>>) target(%dma_start3A_45 : memref<128x32xi32, #tpu.memory_space<vmem>>) offsets(%dma_start3A_48 : memref<128xi32, #tpu.memory_space<vmem>>) semaphore(%arg11 : memref<!tpu.dma_semaphore, #tpu.memory_space<semaphore_mem>>)
    %dma_start3A_52 = arith.constant 5 : i32
    %dma_start3A_53 = arith.constant 0 : i32
    %dma_start3A_54 = arith.constant 0 : i32
    %dma_start3A_55 = tpu.memref_slice %arg10[%dma_start3A_53, %dma_start3A_54] : memref<640x32xi32, #tpu.memory_space<vmem>> -> memref<128x32xi32, #tpu.memory_space<vmem>>
    %dma_start3A_56 = arith.constant 0 : i32
    %dma_start3A_57 = tpu.memref_slice %arg7[%dma_start3A_52, %dma_start3A_56] : memref<50x128xi32, #tpu.memory_space<vmem>> -> memref<1x128xi32, #tpu.memory_space<vmem>>
    %dma_start3A_58 = tpu.memref_squeeze %dma_start3A_57 : memref<1x128xi32, #tpu.memory_space<vmem>> -> memref<128xi32, #tpu.memory_space<vmem>>
    %dma_start3A_59 = arith.constant 0 : i32
    %dma_start3A_60 = arith.constant 0 : i32
    %dma_start3A_61 = tpu.memref_slice %arg4[%dma_start3A_59, %dma_start3A_60] : memref<100000x32xi32, #tpu.memory_space<hbm>> -> memref<100000x32xi32, #tpu.memory_space<hbm>>
    tpu.enqueue_indirect_dma source(%dma_start3A_61 : memref<100000x32xi32, #tpu.memory_space<hbm>>) target(%dma_start3A_55 : memref<128x32xi32, #tpu.memory_space<vmem>>) offsets(%dma_start3A_58 : memref<128xi32, #tpu.memory_space<vmem>>) semaphore(%arg12 : memref<!tpu.dma_semaphore, #tpu.memory_space<semaphore_mem>>)
    %dma_start3A_62 = arith.constant 6 : i32
    %dma_start3A_63 = arith.constant 128 : i32
    %dma_start3A_64 = arith.constant 0 : i32
    %dma_start3A_65 = tpu.memref_slice %arg10[%dma_start3A_63, %dma_start3A_64] : memref<640x32xi32, #tpu.memory_space<vmem>> -> memref<128x32xi32, #tpu.memory_space<vmem>>
    %dma_start3A_66 = arith.constant 0 : i32
    %dma_start3A_67 = tpu.memref_slice %arg7[%dma_start3A_62, %dma_start3A_66] : memref<50x128xi32, #tpu.memory_space<vmem>> -> memref<1x128xi32, #tpu.memory_space<vmem>>
    %dma_start3A_68 = tpu.memref_squeeze %dma_start3A_67 : memref<1x128xi32, #tpu.memory_space<vmem>> -> memref<128xi32, #tpu.memory_space<vmem>>
    %dma_start3A_69 = arith.constant 0 : i32
    %dma_start3A_70 = arith.constant 0 : i32
    %dma_start3A_71 = tpu.memref_slice %arg4[%dma_start3A_69, %dma_start3A_70] : memref<100000x32xi32, #tpu.memory_space<hbm>> -> memref<100000x32xi32, #tpu.memory_space<hbm>>
    tpu.enqueue_indirect_dma source(%dma_start3A_71 : memref<100000x32xi32, #tpu.memory_space<hbm>>) target(%dma_start3A_65 : memref<128x32xi32, #tpu.memory_space<vmem>>) offsets(%dma_start3A_68 : memref<128xi32, #tpu.memory_space<vmem>>) semaphore(%arg12 : memref<!tpu.dma_semaphore, #tpu.memory_space<semaphore_mem>>)
    %dma_start3A_72 = arith.constant 7 : i32
    %dma_start3A_73 = arith.constant 256 : i32
    %dma_start3A_74 = arith.constant 0 : i32
    %dma_start3A_75 = tpu.memref_slice %arg10[%dma_start3A_73, %dma_start3A_74] : memref<640x32xi32, #tpu.memory_space<vmem>> -> memref<128x32xi32, #tpu.memory_space<vmem>>
    %dma_start3A_76 = arith.constant 0 : i32
    %dma_start3A_77 = tpu.memref_slice %arg7[%dma_start3A_72, %dma_start3A_76] : memref<50x128xi32, #tpu.memory_space<vmem>> -> memref<1x128xi32, #tpu.memory_space<vmem>>
    %dma_start3A_78 = tpu.memref_squeeze %dma_start3A_77 : memref<1x128xi32, #tpu.memory_space<vmem>> -> memref<128xi32, #tpu.memory_space<vmem>>
    %dma_start3A_79 = arith.constant 0 : i32
    %dma_start3A_80 = arith.constant 0 : i32
    %dma_start3A_81 = tpu.memref_slice %arg4[%dma_start3A_79, %dma_start3A_80] : memref<100000x32xi32, #tpu.memory_space<hbm>> -> memref<100000x32xi32, #tpu.memory_space<hbm>>
    tpu.enqueue_indirect_dma source(%dma_start3A_81 : memref<100000x32xi32, #tpu.memory_space<hbm>>) target(%dma_start3A_75 : memref<128x32xi32, #tpu.memory_space<vmem>>) offsets(%dma_start3A_78 : memref<128xi32, #tpu.memory_space<vmem>>) semaphore(%arg12 : memref<!tpu.dma_semaphore, #tpu.memory_space<semaphore_mem>>)
    %dma_start3A_82 = arith.constant 8 : i32
    %dma_start3A_83 = arith.constant 384 : i32
    %dma_start3A_84 = arith.constant 0 : i32
    %dma_start3A_85 = tpu.memref_slice %arg10[%dma_start3A_83, %dma_start3A_84] : memref<640x32xi32, #tpu.memory_space<vmem>> -> memref<128x32xi32, #tpu.memory_space<vmem>>
    %dma_start3A_86 = arith.constant 0 : i32
    %dma_start3A_87 = tpu.memref_slice %arg7[%dma_start3A_82, %dma_start3A_86] : memref<50x128xi32, #tpu.memory_space<vmem>> -> memref<1x128xi32, #tpu.memory_space<vmem>>
    %dma_start3A_88 = tpu.memref_squeeze %dma_start3A_87 : memref<1x128xi32, #tpu.memory_space<vmem>> -> memref<128xi32, #tpu.memory_space<vmem>>
    %dma_start3A_89 = arith.constant 0 : i32
    %dma_start3A_90 = arith.constant 0 : i32
    %dma_start3A_91 = tpu.memref_slice %arg4[%dma_start3A_89, %dma_start3A_90] : memref<100000x32xi32, #tpu.memory_space<hbm>> -> memref<100000x32xi32, #tpu.memory_space<hbm>>
    tpu.enqueue_indirect_dma source(%dma_start3A_91 : memref<100000x32xi32, #tpu.memory_space<hbm>>) target(%dma_start3A_85 : memref<128x32xi32, #tpu.memory_space<vmem>>) offsets(%dma_start3A_88 : memref<128xi32, #tpu.memory_space<vmem>>) semaphore(%arg12 : memref<!tpu.dma_semaphore, #tpu.memory_space<semaphore_mem>>)
    %dma_start3A_92 = arith.constant 9 : i32
    %dma_start3A_93 = arith.constant 512 : i32
    %dma_start3A_94 = arith.constant 0 : i32
    %dma_start3A_95 = tpu.memref_slice %arg10[%dma_start3A_93, %dma_start3A_94] : memref<640x32xi32, #tpu.memory_space<vmem>> -> memref<128x32xi32, #tpu.memory_space<vmem>>
    %dma_start3A_96 = arith.constant 0 : i32
    %dma_start3A_97 = tpu.memref_slice %arg7[%dma_start3A_92, %dma_start3A_96] : memref<50x128xi32, #tpu.memory_space<vmem>> -> memref<1x128xi32, #tpu.memory_space<vmem>>
    %dma_start3A_98 = tpu.memref_squeeze %dma_start3A_97 : memref<1x128xi32, #tpu.memory_space<vmem>> -> memref<128xi32, #tpu.memory_space<vmem>>
    %dma_start3A_99 = arith.constant 0 : i32
    %dma_start3A_100 = arith.constant 0 : i32
    %dma_start3A_101 = tpu.memref_slice %arg4[%dma_start3A_99, %dma_start3A_100] : memref<100000x32xi32, #tpu.memory_space<hbm>> -> memref<100000x32xi32, #tpu.memory_space<hbm>>
    tpu.enqueue_indirect_dma source(%dma_start3A_101 : memref<100000x32xi32, #tpu.memory_space<hbm>>) target(%dma_start3A_95 : memref<128x32xi32, #tpu.memory_space<vmem>>) offsets(%dma_start3A_98 : memref<128xi32, #tpu.memory_space<vmem>>) semaphore(%arg12 : memref<!tpu.dma_semaphore, #tpu.memory_space<semaphore_mem>>)
    %mul3A_102 = arith.constant 6400 : i32
    %mul3A_103 = arith.muli %add3A, %mul3A_102 : i32
    %add3A_104 = arith.constant 0 : i32
    %add3A_105 = arith.addi %mul3A_103, %add3A_104 : i32
    %dma_wait3A = arith.constant 0 : i32
    %dma_wait3A_106 = tpu.memref_slice %arg5[%add3A_105, %dma_wait3A] : memref<204800x32xi32, #tpu.memory_space<hbm>> -> memref<640x32xi32, #tpu.memory_space<hbm>>
    %dma_wait3A_107 = arith.constant 0 : i32
    %dma_wait3A_108 = tpu.memref_slice %arg5[%add3A_105, %dma_wait3A_107] : memref<204800x32xi32, #tpu.memory_space<hbm>> -> memref<640x32xi32, #tpu.memory_space<hbm>>
    tpu.wait_dma2 semaphore(%arg11 : memref<!tpu.dma_semaphore, #tpu.memory_space<semaphore_mem>>) src(%dma_wait3A_108 : memref<640x32xi32, #tpu.memory_space<hbm>>) dst(%arg9 : memref<640x32xi32, #tpu.memory_space<vmem>>)
    "tpu.region"() ({
      %run_scoped3A = tpu.sem_alloc : memref<!tpu.dma_semaphore, #tpu.memory_space<semaphore_mem>>
      %dma_start3A_581 = arith.constant 0 : i32
      %dma_start3A_582 = tpu.memref_slice %arg5[%add3A_105, %dma_start3A_581] : memref<204800x32xi32, #tpu.memory_space<hbm>> -> memref<640x32xi32, #tpu.memory_space<hbm>>
      %dma_start3A_583 = arith.constant 0 : i32
      %dma_start3A_584 = tpu.memref_slice %arg5[%add3A_105, %dma_start3A_583] : memref<204800x32xi32, #tpu.memory_space<hbm>> -> memref<640x32xi32, #tpu.memory_space<hbm>>
      tpu.enqueue_dma source(%arg9 : memref<640x32xi32, #tpu.memory_space<vmem>>) target(%dma_start3A_584 : memref<640x32xi32, #tpu.memory_space<hbm>>) target_semaphore(%run_scoped3A : memref<!tpu.dma_semaphore, #tpu.memory_space<semaphore_mem>>)
      %dma_wait3A_585 = arith.constant 0 : i32
      %dma_wait3A_586 = tpu.memref_slice %arg5[%add3A_105, %dma_wait3A_585] : memref<204800x32xi32, #tpu.memory_space<hbm>> -> memref<640x32xi32, #tpu.memory_space<hbm>>
      %dma_wait3A_587 = arith.constant 0 : i32
      %dma_wait3A_588 = tpu.memref_slice %arg5[%add3A_105, %dma_wait3A_587] : memref<204800x32xi32, #tpu.memory_space<hbm>> -> memref<640x32xi32, #tpu.memory_space<hbm>>
      tpu.wait_dma2 semaphore(%run_scoped3A : memref<!tpu.dma_semaphore, #tpu.memory_space<semaphore_mem>>) src(%arg9 : memref<640x32xi32, #tpu.memory_space<vmem>>) dst(%dma_wait3A_588 : memref<640x32xi32, #tpu.memory_space<hbm>>)
      tpu.yield
    }) : () -> ()
    %dma_start3A_109 = arith.constant 10 : i32
    %dma_start3A_110 = arith.constant 0 : i32
    %dma_start3A_111 = arith.constant 0 : i32
    %dma_start3A_112 = tpu.memref_slice %arg9[%dma_start3A_110, %dma_start3A_111] : memref<640x32xi32, #tpu.memory_space<vmem>> -> memref<128x32xi32, #tpu.memory_space<vmem>>
    %dma_start3A_113 = arith.constant 0 : i32
    %dma_start3A_114 = tpu.memref_slice %arg7[%dma_start3A_109, %dma_start3A_113] : memref<50x128xi32, #tpu.memory_space<vmem>> -> memref<1x128xi32, #tpu.memory_space<vmem>>
    %dma_start3A_115 = tpu.memref_squeeze %dma_start3A_114 : memref<1x128xi32, #tpu.memory_space<vmem>> -> memref<128xi32, #tpu.memory_space<vmem>>
    %dma_start3A_116 = arith.constant 0 : i32
    %dma_start3A_117 = arith.constant 0 : i32
    %dma_start3A_118 = tpu.memref_slice %arg4[%dma_start3A_116, %dma_start3A_117] : memref<100000x32xi32, #tpu.memory_space<hbm>> -> memref<100000x32xi32, #tpu.memory_space<hbm>>
    tpu.enqueue_indirect_dma source(%dma_start3A_118 : memref<100000x32xi32, #tpu.memory_space<hbm>>) target(%dma_start3A_112 : memref<128x32xi32, #tpu.memory_space<vmem>>) offsets(%dma_start3A_115 : memref<128xi32, #tpu.memory_space<vmem>>) semaphore(%arg11 : memref<!tpu.dma_semaphore, #tpu.memory_space<semaphore_mem>>)
    %dma_start3A_119 = arith.constant 11 : i32
    %dma_start3A_120 = arith.constant 128 : i32
    %dma_start3A_121 = arith.constant 0 : i32
    %dma_start3A_122 = tpu.memref_slice %arg9[%dma_start3A_120, %dma_start3A_121] : memref<640x32xi32, #tpu.memory_space<vmem>> -> memref<128x32xi32, #tpu.memory_space<vmem>>
    %dma_start3A_123 = arith.constant 0 : i32
    %dma_start3A_124 = tpu.memref_slice %arg7[%dma_start3A_119, %dma_start3A_123] : memref<50x128xi32, #tpu.memory_space<vmem>> -> memref<1x128xi32, #tpu.memory_space<vmem>>
    %dma_start3A_125 = tpu.memref_squeeze %dma_start3A_124 : memref<1x128xi32, #tpu.memory_space<vmem>> -> memref<128xi32, #tpu.memory_space<vmem>>
    %dma_start3A_126 = arith.constant 0 : i32
    %dma_start3A_127 = arith.constant 0 : i32
    %dma_start3A_128 = tpu.memref_slice %arg4[%dma_start3A_126, %dma_start3A_127] : memref<100000x32xi32, #tpu.memory_space<hbm>> -> memref<100000x32xi32, #tpu.memory_space<hbm>>
    tpu.enqueue_indirect_dma source(%dma_start3A_128 : memref<100000x32xi32, #tpu.memory_space<hbm>>) target(%dma_start3A_122 : memref<128x32xi32, #tpu.memory_space<vmem>>) offsets(%dma_start3A_125 : memref<128xi32, #tpu.memory_space<vmem>>) semaphore(%arg11 : memref<!tpu.dma_semaphore, #tpu.memory_space<semaphore_mem>>)
    %dma_start3A_129 = arith.constant 12 : i32
    %dma_start3A_130 = arith.constant 256 : i32
    %dma_start3A_131 = arith.constant 0 : i32
    %dma_start3A_132 = tpu.memref_slice %arg9[%dma_start3A_130, %dma_start3A_131] : memref<640x32xi32, #tpu.memory_space<vmem>> -> memref<128x32xi32, #tpu.memory_space<vmem>>
    %dma_start3A_133 = arith.constant 0 : i32
    %dma_start3A_134 = tpu.memref_slice %arg7[%dma_start3A_129, %dma_start3A_133] : memref<50x128xi32, #tpu.memory_space<vmem>> -> memref<1x128xi32, #tpu.memory_space<vmem>>
    %dma_start3A_135 = tpu.memref_squeeze %dma_start3A_134 : memref<1x128xi32, #tpu.memory_space<vmem>> -> memref<128xi32, #tpu.memory_space<vmem>>
    %dma_start3A_136 = arith.constant 0 : i32
    %dma_start3A_137 = arith.constant 0 : i32
    %dma_start3A_138 = tpu.memref_slice %arg4[%dma_start3A_136, %dma_start3A_137] : memref<100000x32xi32, #tpu.memory_space<hbm>> -> memref<100000x32xi32, #tpu.memory_space<hbm>>
    tpu.enqueue_indirect_dma source(%dma_start3A_138 : memref<100000x32xi32, #tpu.memory_space<hbm>>) target(%dma_start3A_132 : memref<128x32xi32, #tpu.memory_space<vmem>>) offsets(%dma_start3A_135 : memref<128xi32, #tpu.memory_space<vmem>>) semaphore(%arg11 : memref<!tpu.dma_semaphore, #tpu.memory_space<semaphore_mem>>)
    %dma_start3A_139 = arith.constant 13 : i32
    %dma_start3A_140 = arith.constant 384 : i32
    %dma_start3A_141 = arith.constant 0 : i32
    %dma_start3A_142 = tpu.memref_slice %arg9[%dma_start3A_140, %dma_start3A_141] : memref<640x32xi32, #tpu.memory_space<vmem>> -> memref<128x32xi32, #tpu.memory_space<vmem>>
    %dma_start3A_143 = arith.constant 0 : i32
    %dma_start3A_144 = tpu.memref_slice %arg7[%dma_start3A_139, %dma_start3A_143] : memref<50x128xi32, #tpu.memory_space<vmem>> -> memref<1x128xi32, #tpu.memory_space<vmem>>
    %dma_start3A_145 = tpu.memref_squeeze %dma_start3A_144 : memref<1x128xi32, #tpu.memory_space<vmem>> -> memref<128xi32, #tpu.memory_space<vmem>>
    %dma_start3A_146 = arith.constant 0 : i32
    %dma_start3A_147 = arith.constant 0 : i32
    %dma_start3A_148 = tpu.memref_slice %arg4[%dma_start3A_146, %dma_start3A_147] : memref<100000x32xi32, #tpu.memory_space<hbm>> -> memref<100000x32xi32, #tpu.memory_space<hbm>>
    tpu.enqueue_indirect_dma source(%dma_start3A_148 : memref<100000x32xi32, #tpu.memory_space<hbm>>) target(%dma_start3A_142 : memref<128x32xi32, #tpu.memory_space<vmem>>) offsets(%dma_start3A_145 : memref<128xi32, #tpu.memory_space<vmem>>) semaphore(%arg11 : memref<!tpu.dma_semaphore, #tpu.memory_space<semaphore_mem>>)
    %dma_start3A_149 = arith.constant 14 : i32
    %dma_start3A_150 = arith.constant 512 : i32
    %dma_start3A_151 = arith.constant 0 : i32
    %dma_start3A_152 = tpu.memref_slice %arg9[%dma_start3A_150, %dma_start3A_151] : memref<640x32xi32, #tpu.memory_space<vmem>> -> memref<128x32xi32, #tpu.memory_space<vmem>>
    %dma_start3A_153 = arith.constant 0 : i32
    %dma_start3A_154 = tpu.memref_slice %arg7[%dma_start3A_149, %dma_start3A_153] : memref<50x128xi32, #tpu.memory_space<vmem>> -> memref<1x128xi32, #tpu.memory_space<vmem>>
    %dma_start3A_155 = tpu.memref_squeeze %dma_start3A_154 : memref<1x128xi32, #tpu.memory_space<vmem>> -> memref<128xi32, #tpu.memory_space<vmem>>
    %dma_start3A_156 = arith.constant 0 : i32
    %dma_start3A_157 = arith.constant 0 : i32
    %dma_start3A_158 = tpu.memref_slice %arg4[%dma_start3A_156, %dma_start3A_157] : memref<100000x32xi32, #tpu.memory_space<hbm>> -> memref<100000x32xi32, #tpu.memory_space<hbm>>
    tpu.enqueue_indirect_dma source(%dma_start3A_158 : memref<100000x32xi32, #tpu.memory_space<hbm>>) target(%dma_start3A_152 : memref<128x32xi32, #tpu.memory_space<vmem>>) offsets(%dma_start3A_155 : memref<128xi32, #tpu.memory_space<vmem>>) semaphore(%arg11 : memref<!tpu.dma_semaphore, #tpu.memory_space<semaphore_mem>>)
    %mul3A_159 = arith.constant 6400 : i32
    %mul3A_160 = arith.muli %add3A, %mul3A_159 : i32
    %add3A_161 = arith.constant 640 : i32
    %add3A_162 = arith.addi %mul3A_160, %add3A_161 : i32
    %dma_wait3A_163 = arith.constant 0 : i32
    %dma_wait3A_164 = tpu.memref_slice %arg5[%add3A_162, %dma_wait3A_163] : memref<204800x32xi32, #tpu.memory_space<hbm>> -> memref<640x32xi32, #tpu.memory_space<hbm>>
    %dma_wait3A_165 = arith.constant 0 : i32
    %dma_wait3A_166 = tpu.memref_slice %arg5[%add3A_162, %dma_wait3A_165] : memref<204800x32xi32, #tpu.memory_space<hbm>> -> memref<640x32xi32, #tpu.memory_space<hbm>>
    tpu.wait_dma2 semaphore(%arg12 : memref<!tpu.dma_semaphore, #tpu.memory_space<semaphore_mem>>) src(%dma_wait3A_166 : memref<640x32xi32, #tpu.memory_space<hbm>>) dst(%arg10 : memref<640x32xi32, #tpu.memory_space<vmem>>)
    "tpu.region"() ({
      %run_scoped3A = tpu.sem_alloc : memref<!tpu.dma_semaphore, #tpu.memory_space<semaphore_mem>>
      %dma_start3A_581 = arith.constant 0 : i32
      %dma_start3A_582 = tpu.memref_slice %arg5[%add3A_162, %dma_start3A_581] : memref<204800x32xi32, #tpu.memory_space<hbm>> -> memref<640x32xi32, #tpu.memory_space<hbm>>
      %dma_start3A_583 = arith.constant 0 : i32
      %dma_start3A_584 = tpu.memref_slice %arg5[%add3A_162, %dma_start3A_583] : memref<204800x32xi32, #tpu.memory_space<hbm>> -> memref<640x32xi32, #tpu.memory_space<hbm>>
      tpu.enqueue_dma source(%arg10 : memref<640x32xi32, #tpu.memory_space<vmem>>) target(%dma_start3A_584 : memref<640x32xi32, #tpu.memory_space<hbm>>) target_semaphore(%run_scoped3A : memref<!tpu.dma_semaphore, #tpu.memory_space<semaphore_mem>>)
      %dma_wait3A_585 = arith.constant 0 : i32
      %dma_wait3A_586 = tpu.memref_slice %arg5[%add3A_162, %dma_wait3A_585] : memref<204800x32xi32, #tpu.memory_space<hbm>> -> memref<640x32xi32, #tpu.memory_space<hbm>>
      %dma_wait3A_587 = arith.constant 0 : i32
      %dma_wait3A_588 = tpu.memref_slice %arg5[%add3A_162, %dma_wait3A_587] : memref<204800x32xi32, #tpu.memory_space<hbm>> -> memref<640x32xi32, #tpu.memory_space<hbm>>
      tpu.wait_dma2 semaphore(%run_scoped3A : memref<!tpu.dma_semaphore, #tpu.memory_space<semaphore_mem>>) src(%arg10 : memref<640x32xi32, #tpu.memory_space<vmem>>) dst(%dma_wait3A_588 : memref<640x32xi32, #tpu.memory_space<hbm>>)
      tpu.yield
    }) : () -> ()
    %dma_start3A_167 = arith.constant 15 : i32
    %dma_start3A_168 = arith.constant 0 : i32
    %dma_start3A_169 = arith.constant 0 : i32
    %dma_start3A_170 = tpu.memref_slice %arg10[%dma_start3A_168, %dma_start3A_169] : memref<640x32xi32, #tpu.memory_space<vmem>> -> memref<128x32xi32, #tpu.memory_space<vmem>>
    %dma_start3A_171 = arith.constant 0 : i32
    %dma_start3A_172 = tpu.memref_slice %arg7[%dma_start3A_167, %dma_start3A_171] : memref<50x128xi32, #tpu.memory_space<vmem>> -> memref<1x128xi32, #tpu.memory_space<vmem>>
    %dma_start3A_173 = tpu.memref_squeeze %dma_start3A_172 : memref<1x128xi32, #tpu.memory_space<vmem>> -> memref<128xi32, #tpu.memory_space<vmem>>
    %dma_start3A_174 = arith.constant 0 : i32
    %dma_start3A_175 = arith.constant 0 : i32
    %dma_start3A_176 = tpu.memref_slice %arg4[%dma_start3A_174, %dma_start3A_175] : memref<100000x32xi32, #tpu.memory_space<hbm>> -> memref<100000x32xi32, #tpu.memory_space<hbm>>
    tpu.enqueue_indirect_dma source(%dma_start3A_176 : memref<100000x32xi32, #tpu.memory_space<hbm>>) target(%dma_start3A_170 : memref<128x32xi32, #tpu.memory_space<vmem>>) offsets(%dma_start3A_173 : memref<128xi32, #tpu.memory_space<vmem>>) semaphore(%arg12 : memref<!tpu.dma_semaphore, #tpu.memory_space<semaphore_mem>>)
    %dma_start3A_177 = arith.constant 16 : i32
    %dma_start3A_178 = arith.constant 128 : i32
    %dma_start3A_179 = arith.constant 0 : i32
    %dma_start3A_180 = tpu.memref_slice %arg10[%dma_start3A_178, %dma_start3A_179] : memref<640x32xi32, #tpu.memory_space<vmem>> -> memref<128x32xi32, #tpu.memory_space<vmem>>
    %dma_start3A_181 = arith.constant 0 : i32
    %dma_start3A_182 = tpu.memref_slice %arg7[%dma_start3A_177, %dma_start3A_181] : memref<50x128xi32, #tpu.memory_space<vmem>> -> memref<1x128xi32, #tpu.memory_space<vmem>>
    %dma_start3A_183 = tpu.memref_squeeze %dma_start3A_182 : memref<1x128xi32, #tpu.memory_space<vmem>> -> memref<128xi32, #tpu.memory_space<vmem>>
    %dma_start3A_184 = arith.constant 0 : i32
    %dma_start3A_185 = arith.constant 0 : i32
    %dma_start3A_186 = tpu.memref_slice %arg4[%dma_start3A_184, %dma_start3A_185] : memref<100000x32xi32, #tpu.memory_space<hbm>> -> memref<100000x32xi32, #tpu.memory_space<hbm>>
    tpu.enqueue_indirect_dma source(%dma_start3A_186 : memref<100000x32xi32, #tpu.memory_space<hbm>>) target(%dma_start3A_180 : memref<128x32xi32, #tpu.memory_space<vmem>>) offsets(%dma_start3A_183 : memref<128xi32, #tpu.memory_space<vmem>>) semaphore(%arg12 : memref<!tpu.dma_semaphore, #tpu.memory_space<semaphore_mem>>)
    %dma_start3A_187 = arith.constant 17 : i32
    %dma_start3A_188 = arith.constant 256 : i32
    %dma_start3A_189 = arith.constant 0 : i32
    %dma_start3A_190 = tpu.memref_slice %arg10[%dma_start3A_188, %dma_start3A_189] : memref<640x32xi32, #tpu.memory_space<vmem>> -> memref<128x32xi32, #tpu.memory_space<vmem>>
    %dma_start3A_191 = arith.constant 0 : i32
    %dma_start3A_192 = tpu.memref_slice %arg7[%dma_start3A_187, %dma_start3A_191] : memref<50x128xi32, #tpu.memory_space<vmem>> -> memref<1x128xi32, #tpu.memory_space<vmem>>
    %dma_start3A_193 = tpu.memref_squeeze %dma_start3A_192 : memref<1x128xi32, #tpu.memory_space<vmem>> -> memref<128xi32, #tpu.memory_space<vmem>>
    %dma_start3A_194 = arith.constant 0 : i32
    %dma_start3A_195 = arith.constant 0 : i32
    %dma_start3A_196 = tpu.memref_slice %arg4[%dma_start3A_194, %dma_start3A_195] : memref<100000x32xi32, #tpu.memory_space<hbm>> -> memref<100000x32xi32, #tpu.memory_space<hbm>>
    tpu.enqueue_indirect_dma source(%dma_start3A_196 : memref<100000x32xi32, #tpu.memory_space<hbm>>) target(%dma_start3A_190 : memref<128x32xi32, #tpu.memory_space<vmem>>) offsets(%dma_start3A_193 : memref<128xi32, #tpu.memory_space<vmem>>) semaphore(%arg12 : memref<!tpu.dma_semaphore, #tpu.memory_space<semaphore_mem>>)
    %dma_start3A_197 = arith.constant 18 : i32
    %dma_start3A_198 = arith.constant 384 : i32
    %dma_start3A_199 = arith.constant 0 : i32
    %dma_start3A_200 = tpu.memref_slice %arg10[%dma_start3A_198, %dma_start3A_199] : memref<640x32xi32, #tpu.memory_space<vmem>> -> memref<128x32xi32, #tpu.memory_space<vmem>>
    %dma_start3A_201 = arith.constant 0 : i32
    %dma_start3A_202 = tpu.memref_slice %arg7[%dma_start3A_197, %dma_start3A_201] : memref<50x128xi32, #tpu.memory_space<vmem>> -> memref<1x128xi32, #tpu.memory_space<vmem>>
    %dma_start3A_203 = tpu.memref_squeeze %dma_start3A_202 : memref<1x128xi32, #tpu.memory_space<vmem>> -> memref<128xi32, #tpu.memory_space<vmem>>
    %dma_start3A_204 = arith.constant 0 : i32
    %dma_start3A_205 = arith.constant 0 : i32
    %dma_start3A_206 = tpu.memref_slice %arg4[%dma_start3A_204, %dma_start3A_205] : memref<100000x32xi32, #tpu.memory_space<hbm>> -> memref<100000x32xi32, #tpu.memory_space<hbm>>
    tpu.enqueue_indirect_dma source(%dma_start3A_206 : memref<100000x32xi32, #tpu.memory_space<hbm>>) target(%dma_start3A_200 : memref<128x32xi32, #tpu.memory_space<vmem>>) offsets(%dma_start3A_203 : memref<128xi32, #tpu.memory_space<vmem>>) semaphore(%arg12 : memref<!tpu.dma_semaphore, #tpu.memory_space<semaphore_mem>>)
    %dma_start3A_207 = arith.constant 19 : i32
    %dma_start3A_208 = arith.constant 512 : i32
    %dma_start3A_209 = arith.constant 0 : i32
    %dma_start3A_210 = tpu.memref_slice %arg10[%dma_start3A_208, %dma_start3A_209] : memref<640x32xi32, #tpu.memory_space<vmem>> -> memref<128x32xi32, #tpu.memory_space<vmem>>
    %dma_start3A_211 = arith.constant 0 : i32
    %dma_start3A_212 = tpu.memref_slice %arg7[%dma_start3A_207, %dma_start3A_211] : memref<50x128xi32, #tpu.memory_space<vmem>> -> memref<1x128xi32, #tpu.memory_space<vmem>>
    %dma_start3A_213 = tpu.memref_squeeze %dma_start3A_212 : memref<1x128xi32, #tpu.memory_space<vmem>> -> memref<128xi32, #tpu.memory_space<vmem>>
    %dma_start3A_214 = arith.constant 0 : i32
    %dma_start3A_215 = arith.constant 0 : i32
    %dma_start3A_216 = tpu.memref_slice %arg4[%dma_start3A_214, %dma_start3A_215] : memref<100000x32xi32, #tpu.memory_space<hbm>> -> memref<100000x32xi32, #tpu.memory_space<hbm>>
    tpu.enqueue_indirect_dma source(%dma_start3A_216 : memref<100000x32xi32, #tpu.memory_space<hbm>>) target(%dma_start3A_210 : memref<128x32xi32, #tpu.memory_space<vmem>>) offsets(%dma_start3A_213 : memref<128xi32, #tpu.memory_space<vmem>>) semaphore(%arg12 : memref<!tpu.dma_semaphore, #tpu.memory_space<semaphore_mem>>)
    %mul3A_217 = arith.constant 6400 : i32
    %mul3A_218 = arith.muli %add3A, %mul3A_217 : i32
    %add3A_219 = arith.constant 1280 : i32
    %add3A_220 = arith.addi %mul3A_218, %add3A_219 : i32
    %dma_wait3A_221 = arith.constant 0 : i32
    %dma_wait3A_222 = tpu.memref_slice %arg5[%add3A_220, %dma_wait3A_221] : memref<204800x32xi32, #tpu.memory_space<hbm>> -> memref<640x32xi32, #tpu.memory_space<hbm>>
    %dma_wait3A_223 = arith.constant 0 : i32
    %dma_wait3A_224 = tpu.memref_slice %arg5[%add3A_220, %dma_wait3A_223] : memref<204800x32xi32, #tpu.memory_space<hbm>> -> memref<640x32xi32, #tpu.memory_space<hbm>>
    tpu.wait_dma2 semaphore(%arg11 : memref<!tpu.dma_semaphore, #tpu.memory_space<semaphore_mem>>) src(%dma_wait3A_224 : memref<640x32xi32, #tpu.memory_space<hbm>>) dst(%arg9 : memref<640x32xi32, #tpu.memory_space<vmem>>)
    "tpu.region"() ({
      %run_scoped3A = tpu.sem_alloc : memref<!tpu.dma_semaphore, #tpu.memory_space<semaphore_mem>>
      %dma_start3A_581 = arith.constant 0 : i32
      %dma_start3A_582 = tpu.memref_slice %arg5[%add3A_220, %dma_start3A_581] : memref<204800x32xi32, #tpu.memory_space<hbm>> -> memref<640x32xi32, #tpu.memory_space<hbm>>
      %dma_start3A_583 = arith.constant 0 : i32
      %dma_start3A_584 = tpu.memref_slice %arg5[%add3A_220, %dma_start3A_583] : memref<204800x32xi32, #tpu.memory_space<hbm>> -> memref<640x32xi32, #tpu.memory_space<hbm>>
      tpu.enqueue_dma source(%arg9 : memref<640x32xi32, #tpu.memory_space<vmem>>) target(%dma_start3A_584 : memref<640x32xi32, #tpu.memory_space<hbm>>) target_semaphore(%run_scoped3A : memref<!tpu.dma_semaphore, #tpu.memory_space<semaphore_mem>>)
      %dma_wait3A_585 = arith.constant 0 : i32
      %dma_wait3A_586 = tpu.memref_slice %arg5[%add3A_220, %dma_wait3A_585] : memref<204800x32xi32, #tpu.memory_space<hbm>> -> memref<640x32xi32, #tpu.memory_space<hbm>>
      %dma_wait3A_587 = arith.constant 0 : i32
      %dma_wait3A_588 = tpu.memref_slice %arg5[%add3A_220, %dma_wait3A_587] : memref<204800x32xi32, #tpu.memory_space<hbm>> -> memref<640x32xi32, #tpu.memory_space<hbm>>
      tpu.wait_dma2 semaphore(%run_scoped3A : memref<!tpu.dma_semaphore, #tpu.memory_space<semaphore_mem>>) src(%arg9 : memref<640x32xi32, #tpu.memory_space<vmem>>) dst(%dma_wait3A_588 : memref<640x32xi32, #tpu.memory_space<hbm>>)
      tpu.yield
    }) : () -> ()
    %dma_start3A_225 = arith.constant 20 : i32
    %dma_start3A_226 = arith.constant 0 : i32
    %dma_start3A_227 = arith.constant 0 : i32
    %dma_start3A_228 = tpu.memref_slice %arg9[%dma_start3A_226, %dma_start3A_227] : memref<640x32xi32, #tpu.memory_space<vmem>> -> memref<128x32xi32, #tpu.memory_space<vmem>>
    %dma_start3A_229 = arith.constant 0 : i32
    %dma_start3A_230 = tpu.memref_slice %arg7[%dma_start3A_225, %dma_start3A_229] : memref<50x128xi32, #tpu.memory_space<vmem>> -> memref<1x128xi32, #tpu.memory_space<vmem>>
    %dma_start3A_231 = tpu.memref_squeeze %dma_start3A_230 : memref<1x128xi32, #tpu.memory_space<vmem>> -> memref<128xi32, #tpu.memory_space<vmem>>
    %dma_start3A_232 = arith.constant 0 : i32
    %dma_start3A_233 = arith.constant 0 : i32
    %dma_start3A_234 = tpu.memref_slice %arg4[%dma_start3A_232, %dma_start3A_233] : memref<100000x32xi32, #tpu.memory_space<hbm>> -> memref<100000x32xi32, #tpu.memory_space<hbm>>
    tpu.enqueue_indirect_dma source(%dma_start3A_234 : memref<100000x32xi32, #tpu.memory_space<hbm>>) target(%dma_start3A_228 : memref<128x32xi32, #tpu.memory_space<vmem>>) offsets(%dma_start3A_231 : memref<128xi32, #tpu.memory_space<vmem>>) semaphore(%arg11 : memref<!tpu.dma_semaphore, #tpu.memory_space<semaphore_mem>>)
    %dma_start3A_235 = arith.constant 21 : i32
    %dma_start3A_236 = arith.constant 128 : i32
    %dma_start3A_237 = arith.constant 0 : i32
    %dma_start3A_238 = tpu.memref_slice %arg9[%dma_start3A_236, %dma_start3A_237] : memref<640x32xi32, #tpu.memory_space<vmem>> -> memref<128x32xi32, #tpu.memory_space<vmem>>
    %dma_start3A_239 = arith.constant 0 : i32
    %dma_start3A_240 = tpu.memref_slice %arg7[%dma_start3A_235, %dma_start3A_239] : memref<50x128xi32, #tpu.memory_space<vmem>> -> memref<1x128xi32, #tpu.memory_space<vmem>>
    %dma_start3A_241 = tpu.memref_squeeze %dma_start3A_240 : memref<1x128xi32, #tpu.memory_space<vmem>> -> memref<128xi32, #tpu.memory_space<vmem>>
    %dma_start3A_242 = arith.constant 0 : i32
    %dma_start3A_243 = arith.constant 0 : i32
    %dma_start3A_244 = tpu.memref_slice %arg4[%dma_start3A_242, %dma_start3A_243] : memref<100000x32xi32, #tpu.memory_space<hbm>> -> memref<100000x32xi32, #tpu.memory_space<hbm>>
    tpu.enqueue_indirect_dma source(%dma_start3A_244 : memref<100000x32xi32, #tpu.memory_space<hbm>>) target(%dma_start3A_238 : memref<128x32xi32, #tpu.memory_space<vmem>>) offsets(%dma_start3A_241 : memref<128xi32, #tpu.memory_space<vmem>>) semaphore(%arg11 : memref<!tpu.dma_semaphore, #tpu.memory_space<semaphore_mem>>)
    %dma_start3A_245 = arith.constant 22 : i32
    %dma_start3A_246 = arith.constant 256 : i32
    %dma_start3A_247 = arith.constant 0 : i32
    %dma_start3A_248 = tpu.memref_slice %arg9[%dma_start3A_246, %dma_start3A_247] : memref<640x32xi32, #tpu.memory_space<vmem>> -> memref<128x32xi32, #tpu.memory_space<vmem>>
    %dma_start3A_249 = arith.constant 0 : i32
    %dma_start3A_250 = tpu.memref_slice %arg7[%dma_start3A_245, %dma_start3A_249] : memref<50x128xi32, #tpu.memory_space<vmem>> -> memref<1x128xi32, #tpu.memory_space<vmem>>
    %dma_start3A_251 = tpu.memref_squeeze %dma_start3A_250 : memref<1x128xi32, #tpu.memory_space<vmem>> -> memref<128xi32, #tpu.memory_space<vmem>>
    %dma_start3A_252 = arith.constant 0 : i32
    %dma_start3A_253 = arith.constant 0 : i32
    %dma_start3A_254 = tpu.memref_slice %arg4[%dma_start3A_252, %dma_start3A_253] : memref<100000x32xi32, #tpu.memory_space<hbm>> -> memref<100000x32xi32, #tpu.memory_space<hbm>>
    tpu.enqueue_indirect_dma source(%dma_start3A_254 : memref<100000x32xi32, #tpu.memory_space<hbm>>) target(%dma_start3A_248 : memref<128x32xi32, #tpu.memory_space<vmem>>) offsets(%dma_start3A_251 : memref<128xi32, #tpu.memory_space<vmem>>) semaphore(%arg11 : memref<!tpu.dma_semaphore, #tpu.memory_space<semaphore_mem>>)
    %dma_start3A_255 = arith.constant 23 : i32
    %dma_start3A_256 = arith.constant 384 : i32
    %dma_start3A_257 = arith.constant 0 : i32
    %dma_start3A_258 = tpu.memref_slice %arg9[%dma_start3A_256, %dma_start3A_257] : memref<640x32xi32, #tpu.memory_space<vmem>> -> memref<128x32xi32, #tpu.memory_space<vmem>>
    %dma_start3A_259 = arith.constant 0 : i32
    %dma_start3A_260 = tpu.memref_slice %arg7[%dma_start3A_255, %dma_start3A_259] : memref<50x128xi32, #tpu.memory_space<vmem>> -> memref<1x128xi32, #tpu.memory_space<vmem>>
    %dma_start3A_261 = tpu.memref_squeeze %dma_start3A_260 : memref<1x128xi32, #tpu.memory_space<vmem>> -> memref<128xi32, #tpu.memory_space<vmem>>
    %dma_start3A_262 = arith.constant 0 : i32
    %dma_start3A_263 = arith.constant 0 : i32
    %dma_start3A_264 = tpu.memref_slice %arg4[%dma_start3A_262, %dma_start3A_263] : memref<100000x32xi32, #tpu.memory_space<hbm>> -> memref<100000x32xi32, #tpu.memory_space<hbm>>
    tpu.enqueue_indirect_dma source(%dma_start3A_264 : memref<100000x32xi32, #tpu.memory_space<hbm>>) target(%dma_start3A_258 : memref<128x32xi32, #tpu.memory_space<vmem>>) offsets(%dma_start3A_261 : memref<128xi32, #tpu.memory_space<vmem>>) semaphore(%arg11 : memref<!tpu.dma_semaphore, #tpu.memory_space<semaphore_mem>>)
    %dma_start3A_265 = arith.constant 24 : i32
    %dma_start3A_266 = arith.constant 512 : i32
    %dma_start3A_267 = arith.constant 0 : i32
    %dma_start3A_268 = tpu.memref_slice %arg9[%dma_start3A_266, %dma_start3A_267] : memref<640x32xi32, #tpu.memory_space<vmem>> -> memref<128x32xi32, #tpu.memory_space<vmem>>
    %dma_start3A_269 = arith.constant 0 : i32
    %dma_start3A_270 = tpu.memref_slice %arg7[%dma_start3A_265, %dma_start3A_269] : memref<50x128xi32, #tpu.memory_space<vmem>> -> memref<1x128xi32, #tpu.memory_space<vmem>>
    %dma_start3A_271 = tpu.memref_squeeze %dma_start3A_270 : memref<1x128xi32, #tpu.memory_space<vmem>> -> memref<128xi32, #tpu.memory_space<vmem>>
    %dma_start3A_272 = arith.constant 0 : i32
    %dma_start3A_273 = arith.constant 0 : i32
    %dma_start3A_274 = tpu.memref_slice %arg4[%dma_start3A_272, %dma_start3A_273] : memref<100000x32xi32, #tpu.memory_space<hbm>> -> memref<100000x32xi32, #tpu.memory_space<hbm>>
    tpu.enqueue_indirect_dma source(%dma_start3A_274 : memref<100000x32xi32, #tpu.memory_space<hbm>>) target(%dma_start3A_268 : memref<128x32xi32, #tpu.memory_space<vmem>>) offsets(%dma_start3A_271 : memref<128xi32, #tpu.memory_space<vmem>>) semaphore(%arg11 : memref<!tpu.dma_semaphore, #tpu.memory_space<semaphore_mem>>)
    %mul3A_275 = arith.constant 6400 : i32
    %mul3A_276 = arith.muli %add3A, %mul3A_275 : i32
    %add3A_277 = arith.constant 1920 : i32
    %add3A_278 = arith.addi %mul3A_276, %add3A_277 : i32
    %dma_wait3A_279 = arith.constant 0 : i32
    %dma_wait3A_280 = tpu.memref_slice %arg5[%add3A_278, %dma_wait3A_279] : memref<204800x32xi32, #tpu.memory_space<hbm>> -> memref<640x32xi32, #tpu.memory_space<hbm>>
    %dma_wait3A_281 = arith.constant 0 : i32
    %dma_wait3A_282 = tpu.memref_slice %arg5[%add3A_278, %dma_wait3A_281] : memref<204800x32xi32, #tpu.memory_space<hbm>> -> memref<640x32xi32, #tpu.memory_space<hbm>>
    tpu.wait_dma2 semaphore(%arg12 : memref<!tpu.dma_semaphore, #tpu.memory_space<semaphore_mem>>) src(%dma_wait3A_282 : memref<640x32xi32, #tpu.memory_space<hbm>>) dst(%arg10 : memref<640x32xi32, #tpu.memory_space<vmem>>)
    "tpu.region"() ({
      %run_scoped3A = tpu.sem_alloc : memref<!tpu.dma_semaphore, #tpu.memory_space<semaphore_mem>>
      %dma_start3A_581 = arith.constant 0 : i32
      %dma_start3A_582 = tpu.memref_slice %arg5[%add3A_278, %dma_start3A_581] : memref<204800x32xi32, #tpu.memory_space<hbm>> -> memref<640x32xi32, #tpu.memory_space<hbm>>
      %dma_start3A_583 = arith.constant 0 : i32
      %dma_start3A_584 = tpu.memref_slice %arg5[%add3A_278, %dma_start3A_583] : memref<204800x32xi32, #tpu.memory_space<hbm>> -> memref<640x32xi32, #tpu.memory_space<hbm>>
      tpu.enqueue_dma source(%arg10 : memref<640x32xi32, #tpu.memory_space<vmem>>) target(%dma_start3A_584 : memref<640x32xi32, #tpu.memory_space<hbm>>) target_semaphore(%run_scoped3A : memref<!tpu.dma_semaphore, #tpu.memory_space<semaphore_mem>>)
      %dma_wait3A_585 = arith.constant 0 : i32
      %dma_wait3A_586 = tpu.memref_slice %arg5[%add3A_278, %dma_wait3A_585] : memref<204800x32xi32, #tpu.memory_space<hbm>> -> memref<640x32xi32, #tpu.memory_space<hbm>>
      %dma_wait3A_587 = arith.constant 0 : i32
      %dma_wait3A_588 = tpu.memref_slice %arg5[%add3A_278, %dma_wait3A_587] : memref<204800x32xi32, #tpu.memory_space<hbm>> -> memref<640x32xi32, #tpu.memory_space<hbm>>
      tpu.wait_dma2 semaphore(%run_scoped3A : memref<!tpu.dma_semaphore, #tpu.memory_space<semaphore_mem>>) src(%arg10 : memref<640x32xi32, #tpu.memory_space<vmem>>) dst(%dma_wait3A_588 : memref<640x32xi32, #tpu.memory_space<hbm>>)
      tpu.yield
    }) : () -> ()
    %dma_start3A_283 = arith.constant 25 : i32
    %dma_start3A_284 = arith.constant 0 : i32
    %dma_start3A_285 = arith.constant 0 : i32
    %dma_start3A_286 = tpu.memref_slice %arg10[%dma_start3A_284, %dma_start3A_285] : memref<640x32xi32, #tpu.memory_space<vmem>> -> memref<128x32xi32, #tpu.memory_space<vmem>>
    %dma_start3A_287 = arith.constant 0 : i32
    %dma_start3A_288 = tpu.memref_slice %arg7[%dma_start3A_283, %dma_start3A_287] : memref<50x128xi32, #tpu.memory_space<vmem>> -> memref<1x128xi32, #tpu.memory_space<vmem>>
    %dma_start3A_289 = tpu.memref_squeeze %dma_start3A_288 : memref<1x128xi32, #tpu.memory_space<vmem>> -> memref<128xi32, #tpu.memory_space<vmem>>
    %dma_start3A_290 = arith.constant 0 : i32
    %dma_start3A_291 = arith.constant 0 : i32
    %dma_start3A_292 = tpu.memref_slice %arg4[%dma_start3A_290, %dma_start3A_291] : memref<100000x32xi32, #tpu.memory_space<hbm>> -> memref<100000x32xi32, #tpu.memory_space<hbm>>
    tpu.enqueue_indirect_dma source(%dma_start3A_292 : memref<100000x32xi32, #tpu.memory_space<hbm>>) target(%dma_start3A_286 : memref<128x32xi32, #tpu.memory_space<vmem>>) offsets(%dma_start3A_289 : memref<128xi32, #tpu.memory_space<vmem>>) semaphore(%arg12 : memref<!tpu.dma_semaphore, #tpu.memory_space<semaphore_mem>>)
    %dma_start3A_293 = arith.constant 26 : i32
    %dma_start3A_294 = arith.constant 128 : i32
    %dma_start3A_295 = arith.constant 0 : i32
    %dma_start3A_296 = tpu.memref_slice %arg10[%dma_start3A_294, %dma_start3A_295] : memref<640x32xi32, #tpu.memory_space<vmem>> -> memref<128x32xi32, #tpu.memory_space<vmem>>
    %dma_start3A_297 = arith.constant 0 : i32
    %dma_start3A_298 = tpu.memref_slice %arg7[%dma_start3A_293, %dma_start3A_297] : memref<50x128xi32, #tpu.memory_space<vmem>> -> memref<1x128xi32, #tpu.memory_space<vmem>>
    %dma_start3A_299 = tpu.memref_squeeze %dma_start3A_298 : memref<1x128xi32, #tpu.memory_space<vmem>> -> memref<128xi32, #tpu.memory_space<vmem>>
    %dma_start3A_300 = arith.constant 0 : i32
    %dma_start3A_301 = arith.constant 0 : i32
    %dma_start3A_302 = tpu.memref_slice %arg4[%dma_start3A_300, %dma_start3A_301] : memref<100000x32xi32, #tpu.memory_space<hbm>> -> memref<100000x32xi32, #tpu.memory_space<hbm>>
    tpu.enqueue_indirect_dma source(%dma_start3A_302 : memref<100000x32xi32, #tpu.memory_space<hbm>>) target(%dma_start3A_296 : memref<128x32xi32, #tpu.memory_space<vmem>>) offsets(%dma_start3A_299 : memref<128xi32, #tpu.memory_space<vmem>>) semaphore(%arg12 : memref<!tpu.dma_semaphore, #tpu.memory_space<semaphore_mem>>)
    %dma_start3A_303 = arith.constant 27 : i32
    %dma_start3A_304 = arith.constant 256 : i32
    %dma_start3A_305 = arith.constant 0 : i32
    %dma_start3A_306 = tpu.memref_slice %arg10[%dma_start3A_304, %dma_start3A_305] : memref<640x32xi32, #tpu.memory_space<vmem>> -> memref<128x32xi32, #tpu.memory_space<vmem>>
    %dma_start3A_307 = arith.constant 0 : i32
    %dma_start3A_308 = tpu.memref_slice %arg7[%dma_start3A_303, %dma_start3A_307] : memref<50x128xi32, #tpu.memory_space<vmem>> -> memref<1x128xi32, #tpu.memory_space<vmem>>
    %dma_start3A_309 = tpu.memref_squeeze %dma_start3A_308 : memref<1x128xi32, #tpu.memory_space<vmem>> -> memref<128xi32, #tpu.memory_space<vmem>>
    %dma_start3A_310 = arith.constant 0 : i32
    %dma_start3A_311 = arith.constant 0 : i32
    %dma_start3A_312 = tpu.memref_slice %arg4[%dma_start3A_310, %dma_start3A_311] : memref<100000x32xi32, #tpu.memory_space<hbm>> -> memref<100000x32xi32, #tpu.memory_space<hbm>>
    tpu.enqueue_indirect_dma source(%dma_start3A_312 : memref<100000x32xi32, #tpu.memory_space<hbm>>) target(%dma_start3A_306 : memref<128x32xi32, #tpu.memory_space<vmem>>) offsets(%dma_start3A_309 : memref<128xi32, #tpu.memory_space<vmem>>) semaphore(%arg12 : memref<!tpu.dma_semaphore, #tpu.memory_space<semaphore_mem>>)
    %dma_start3A_313 = arith.constant 28 : i32
    %dma_start3A_314 = arith.constant 384 : i32
    %dma_start3A_315 = arith.constant 0 : i32
    %dma_start3A_316 = tpu.memref_slice %arg10[%dma_start3A_314, %dma_start3A_315] : memref<640x32xi32, #tpu.memory_space<vmem>> -> memref<128x32xi32, #tpu.memory_space<vmem>>
    %dma_start3A_317 = arith.constant 0 : i32
    %dma_start3A_318 = tpu.memref_slice %arg7[%dma_start3A_313, %dma_start3A_317] : memref<50x128xi32, #tpu.memory_space<vmem>> -> memref<1x128xi32, #tpu.memory_space<vmem>>
    %dma_start3A_319 = tpu.memref_squeeze %dma_start3A_318 : memref<1x128xi32, #tpu.memory_space<vmem>> -> memref<128xi32, #tpu.memory_space<vmem>>
    %dma_start3A_320 = arith.constant 0 : i32
    %dma_start3A_321 = arith.constant 0 : i32
    %dma_start3A_322 = tpu.memref_slice %arg4[%dma_start3A_320, %dma_start3A_321] : memref<100000x32xi32, #tpu.memory_space<hbm>> -> memref<100000x32xi32, #tpu.memory_space<hbm>>
    tpu.enqueue_indirect_dma source(%dma_start3A_322 : memref<100000x32xi32, #tpu.memory_space<hbm>>) target(%dma_start3A_316 : memref<128x32xi32, #tpu.memory_space<vmem>>) offsets(%dma_start3A_319 : memref<128xi32, #tpu.memory_space<vmem>>) semaphore(%arg12 : memref<!tpu.dma_semaphore, #tpu.memory_space<semaphore_mem>>)
    %dma_start3A_323 = arith.constant 29 : i32
    %dma_start3A_324 = arith.constant 512 : i32
    %dma_start3A_325 = arith.constant 0 : i32
    %dma_start3A_326 = tpu.memref_slice %arg10[%dma_start3A_324, %dma_start3A_325] : memref<640x32xi32, #tpu.memory_space<vmem>> -> memref<128x32xi32, #tpu.memory_space<vmem>>
    %dma_start3A_327 = arith.constant 0 : i32
    %dma_start3A_328 = tpu.memref_slice %arg7[%dma_start3A_323, %dma_start3A_327] : memref<50x128xi32, #tpu.memory_space<vmem>> -> memref<1x128xi32, #tpu.memory_space<vmem>>
    %dma_start3A_329 = tpu.memref_squeeze %dma_start3A_328 : memref<1x128xi32, #tpu.memory_space<vmem>> -> memref<128xi32, #tpu.memory_space<vmem>>
    %dma_start3A_330 = arith.constant 0 : i32
    %dma_start3A_331 = arith.constant 0 : i32
    %dma_start3A_332 = tpu.memref_slice %arg4[%dma_start3A_330, %dma_start3A_331] : memref<100000x32xi32, #tpu.memory_space<hbm>> -> memref<100000x32xi32, #tpu.memory_space<hbm>>
    tpu.enqueue_indirect_dma source(%dma_start3A_332 : memref<100000x32xi32, #tpu.memory_space<hbm>>) target(%dma_start3A_326 : memref<128x32xi32, #tpu.memory_space<vmem>>) offsets(%dma_start3A_329 : memref<128xi32, #tpu.memory_space<vmem>>) semaphore(%arg12 : memref<!tpu.dma_semaphore, #tpu.memory_space<semaphore_mem>>)
    %mul3A_333 = arith.constant 6400 : i32
    %mul3A_334 = arith.muli %add3A, %mul3A_333 : i32
    %add3A_335 = arith.constant 2560 : i32
    %add3A_336 = arith.addi %mul3A_334, %add3A_335 : i32
    %dma_wait3A_337 = arith.constant 0 : i32
    %dma_wait3A_338 = tpu.memref_slice %arg5[%add3A_336, %dma_wait3A_337] : memref<204800x32xi32, #tpu.memory_space<hbm>> -> memref<640x32xi32, #tpu.memory_space<hbm>>
    %dma_wait3A_339 = arith.constant 0 : i32
    %dma_wait3A_340 = tpu.memref_slice %arg5[%add3A_336, %dma_wait3A_339] : memref<204800x32xi32, #tpu.memory_space<hbm>> -> memref<640x32xi32, #tpu.memory_space<hbm>>
    tpu.wait_dma2 semaphore(%arg11 : memref<!tpu.dma_semaphore, #tpu.memory_space<semaphore_mem>>) src(%dma_wait3A_340 : memref<640x32xi32, #tpu.memory_space<hbm>>) dst(%arg9 : memref<640x32xi32, #tpu.memory_space<vmem>>)
    "tpu.region"() ({
      %run_scoped3A = tpu.sem_alloc : memref<!tpu.dma_semaphore, #tpu.memory_space<semaphore_mem>>
      %dma_start3A_581 = arith.constant 0 : i32
      %dma_start3A_582 = tpu.memref_slice %arg5[%add3A_336, %dma_start3A_581] : memref<204800x32xi32, #tpu.memory_space<hbm>> -> memref<640x32xi32, #tpu.memory_space<hbm>>
      %dma_start3A_583 = arith.constant 0 : i32
      %dma_start3A_584 = tpu.memref_slice %arg5[%add3A_336, %dma_start3A_583] : memref<204800x32xi32, #tpu.memory_space<hbm>> -> memref<640x32xi32, #tpu.memory_space<hbm>>
      tpu.enqueue_dma source(%arg9 : memref<640x32xi32, #tpu.memory_space<vmem>>) target(%dma_start3A_584 : memref<640x32xi32, #tpu.memory_space<hbm>>) target_semaphore(%run_scoped3A : memref<!tpu.dma_semaphore, #tpu.memory_space<semaphore_mem>>)
      %dma_wait3A_585 = arith.constant 0 : i32
      %dma_wait3A_586 = tpu.memref_slice %arg5[%add3A_336, %dma_wait3A_585] : memref<204800x32xi32, #tpu.memory_space<hbm>> -> memref<640x32xi32, #tpu.memory_space<hbm>>
      %dma_wait3A_587 = arith.constant 0 : i32
      %dma_wait3A_588 = tpu.memref_slice %arg5[%add3A_336, %dma_wait3A_587] : memref<204800x32xi32, #tpu.memory_space<hbm>> -> memref<640x32xi32, #tpu.memory_space<hbm>>
      tpu.wait_dma2 semaphore(%run_scoped3A : memref<!tpu.dma_semaphore, #tpu.memory_space<semaphore_mem>>) src(%arg9 : memref<640x32xi32, #tpu.memory_space<vmem>>) dst(%dma_wait3A_588 : memref<640x32xi32, #tpu.memory_space<hbm>>)
      tpu.yield
    }) : () -> ()
    %dma_start3A_341 = arith.constant 30 : i32
    %dma_start3A_342 = arith.constant 0 : i32
    %dma_start3A_343 = arith.constant 0 : i32
    %dma_start3A_344 = tpu.memref_slice %arg9[%dma_start3A_342, %dma_start3A_343] : memref<640x32xi32, #tpu.memory_space<vmem>> -> memref<128x32xi32, #tpu.memory_space<vmem>>
    %dma_start3A_345 = arith.constant 0 : i32
    %dma_start3A_346 = tpu.memref_slice %arg7[%dma_start3A_341, %dma_start3A_345] : memref<50x128xi32, #tpu.memory_space<vmem>> -> memref<1x128xi32, #tpu.memory_space<vmem>>
    %dma_start3A_347 = tpu.memref_squeeze %dma_start3A_346 : memref<1x128xi32, #tpu.memory_space<vmem>> -> memref<128xi32, #tpu.memory_space<vmem>>
    %dma_start3A_348 = arith.constant 0 : i32
    %dma_start3A_349 = arith.constant 0 : i32
    %dma_start3A_350 = tpu.memref_slice %arg4[%dma_start3A_348, %dma_start3A_349] : memref<100000x32xi32, #tpu.memory_space<hbm>> -> memref<100000x32xi32, #tpu.memory_space<hbm>>
    tpu.enqueue_indirect_dma source(%dma_start3A_350 : memref<100000x32xi32, #tpu.memory_space<hbm>>) target(%dma_start3A_344 : memref<128x32xi32, #tpu.memory_space<vmem>>) offsets(%dma_start3A_347 : memref<128xi32, #tpu.memory_space<vmem>>) semaphore(%arg11 : memref<!tpu.dma_semaphore, #tpu.memory_space<semaphore_mem>>)
    %dma_start3A_351 = arith.constant 31 : i32
    %dma_start3A_352 = arith.constant 128 : i32
    %dma_start3A_353 = arith.constant 0 : i32
    %dma_start3A_354 = tpu.memref_slice %arg9[%dma_start3A_352, %dma_start3A_353] : memref<640x32xi32, #tpu.memory_space<vmem>> -> memref<128x32xi32, #tpu.memory_space<vmem>>
    %dma_start3A_355 = arith.constant 0 : i32
    %dma_start3A_356 = tpu.memref_slice %arg7[%dma_start3A_351, %dma_start3A_355] : memref<50x128xi32, #tpu.memory_space<vmem>> -> memref<1x128xi32, #tpu.memory_space<vmem>>
    %dma_start3A_357 = tpu.memref_squeeze %dma_start3A_356 : memref<1x128xi32, #tpu.memory_space<vmem>> -> memref<128xi32, #tpu.memory_space<vmem>>
    %dma_start3A_358 = arith.constant 0 : i32
    %dma_start3A_359 = arith.constant 0 : i32
    %dma_start3A_360 = tpu.memref_slice %arg4[%dma_start3A_358, %dma_start3A_359] : memref<100000x32xi32, #tpu.memory_space<hbm>> -> memref<100000x32xi32, #tpu.memory_space<hbm>>
    tpu.enqueue_indirect_dma source(%dma_start3A_360 : memref<100000x32xi32, #tpu.memory_space<hbm>>) target(%dma_start3A_354 : memref<128x32xi32, #tpu.memory_space<vmem>>) offsets(%dma_start3A_357 : memref<128xi32, #tpu.memory_space<vmem>>) semaphore(%arg11 : memref<!tpu.dma_semaphore, #tpu.memory_space<semaphore_mem>>)
    %dma_start3A_361 = arith.constant 32 : i32
    %dma_start3A_362 = arith.constant 256 : i32
    %dma_start3A_363 = arith.constant 0 : i32
    %dma_start3A_364 = tpu.memref_slice %arg9[%dma_start3A_362, %dma_start3A_363] : memref<640x32xi32, #tpu.memory_space<vmem>> -> memref<128x32xi32, #tpu.memory_space<vmem>>
    %dma_start3A_365 = arith.constant 0 : i32
    %dma_start3A_366 = tpu.memref_slice %arg7[%dma_start3A_361, %dma_start3A_365] : memref<50x128xi32, #tpu.memory_space<vmem>> -> memref<1x128xi32, #tpu.memory_space<vmem>>
    %dma_start3A_367 = tpu.memref_squeeze %dma_start3A_366 : memref<1x128xi32, #tpu.memory_space<vmem>> -> memref<128xi32, #tpu.memory_space<vmem>>
    %dma_start3A_368 = arith.constant 0 : i32
    %dma_start3A_369 = arith.constant 0 : i32
    %dma_start3A_370 = tpu.memref_slice %arg4[%dma_start3A_368, %dma_start3A_369] : memref<100000x32xi32, #tpu.memory_space<hbm>> -> memref<100000x32xi32, #tpu.memory_space<hbm>>
    tpu.enqueue_indirect_dma source(%dma_start3A_370 : memref<100000x32xi32, #tpu.memory_space<hbm>>) target(%dma_start3A_364 : memref<128x32xi32, #tpu.memory_space<vmem>>) offsets(%dma_start3A_367 : memref<128xi32, #tpu.memory_space<vmem>>) semaphore(%arg11 : memref<!tpu.dma_semaphore, #tpu.memory_space<semaphore_mem>>)
    %dma_start3A_371 = arith.constant 33 : i32
    %dma_start3A_372 = arith.constant 384 : i32
    %dma_start3A_373 = arith.constant 0 : i32
    %dma_start3A_374 = tpu.memref_slice %arg9[%dma_start3A_372, %dma_start3A_373] : memref<640x32xi32, #tpu.memory_space<vmem>> -> memref<128x32xi32, #tpu.memory_space<vmem>>
    %dma_start3A_375 = arith.constant 0 : i32
    %dma_start3A_376 = tpu.memref_slice %arg7[%dma_start3A_371, %dma_start3A_375] : memref<50x128xi32, #tpu.memory_space<vmem>> -> memref<1x128xi32, #tpu.memory_space<vmem>>
    %dma_start3A_377 = tpu.memref_squeeze %dma_start3A_376 : memref<1x128xi32, #tpu.memory_space<vmem>> -> memref<128xi32, #tpu.memory_space<vmem>>
    %dma_start3A_378 = arith.constant 0 : i32
    %dma_start3A_379 = arith.constant 0 : i32
    %dma_start3A_380 = tpu.memref_slice %arg4[%dma_start3A_378, %dma_start3A_379] : memref<100000x32xi32, #tpu.memory_space<hbm>> -> memref<100000x32xi32, #tpu.memory_space<hbm>>
    tpu.enqueue_indirect_dma source(%dma_start3A_380 : memref<100000x32xi32, #tpu.memory_space<hbm>>) target(%dma_start3A_374 : memref<128x32xi32, #tpu.memory_space<vmem>>) offsets(%dma_start3A_377 : memref<128xi32, #tpu.memory_space<vmem>>) semaphore(%arg11 : memref<!tpu.dma_semaphore, #tpu.memory_space<semaphore_mem>>)
    %dma_start3A_381 = arith.constant 34 : i32
    %dma_start3A_382 = arith.constant 512 : i32
    %dma_start3A_383 = arith.constant 0 : i32
    %dma_start3A_384 = tpu.memref_slice %arg9[%dma_start3A_382, %dma_start3A_383] : memref<640x32xi32, #tpu.memory_space<vmem>> -> memref<128x32xi32, #tpu.memory_space<vmem>>
    %dma_start3A_385 = arith.constant 0 : i32
    %dma_start3A_386 = tpu.memref_slice %arg7[%dma_start3A_381, %dma_start3A_385] : memref<50x128xi32, #tpu.memory_space<vmem>> -> memref<1x128xi32, #tpu.memory_space<vmem>>
    %dma_start3A_387 = tpu.memref_squeeze %dma_start3A_386 : memref<1x128xi32, #tpu.memory_space<vmem>> -> memref<128xi32, #tpu.memory_space<vmem>>
    %dma_start3A_388 = arith.constant 0 : i32
    %dma_start3A_389 = arith.constant 0 : i32
    %dma_start3A_390 = tpu.memref_slice %arg4[%dma_start3A_388, %dma_start3A_389] : memref<100000x32xi32, #tpu.memory_space<hbm>> -> memref<100000x32xi32, #tpu.memory_space<hbm>>
    tpu.enqueue_indirect_dma source(%dma_start3A_390 : memref<100000x32xi32, #tpu.memory_space<hbm>>) target(%dma_start3A_384 : memref<128x32xi32, #tpu.memory_space<vmem>>) offsets(%dma_start3A_387 : memref<128xi32, #tpu.memory_space<vmem>>) semaphore(%arg11 : memref<!tpu.dma_semaphore, #tpu.memory_space<semaphore_mem>>)
    %mul3A_391 = arith.constant 6400 : i32
    %mul3A_392 = arith.muli %add3A, %mul3A_391 : i32
    %add3A_393 = arith.constant 3200 : i32
    %add3A_394 = arith.addi %mul3A_392, %add3A_393 : i32
    %dma_wait3A_395 = arith.constant 0 : i32
    %dma_wait3A_396 = tpu.memref_slice %arg5[%add3A_394, %dma_wait3A_395] : memref<204800x32xi32, #tpu.memory_space<hbm>> -> memref<640x32xi32, #tpu.memory_space<hbm>>
    %dma_wait3A_397 = arith.constant 0 : i32
    %dma_wait3A_398 = tpu.memref_slice %arg5[%add3A_394, %dma_wait3A_397] : memref<204800x32xi32, #tpu.memory_space<hbm>> -> memref<640x32xi32, #tpu.memory_space<hbm>>
    tpu.wait_dma2 semaphore(%arg12 : memref<!tpu.dma_semaphore, #tpu.memory_space<semaphore_mem>>) src(%dma_wait3A_398 : memref<640x32xi32, #tpu.memory_space<hbm>>) dst(%arg10 : memref<640x32xi32, #tpu.memory_space<vmem>>)
    "tpu.region"() ({
      %run_scoped3A = tpu.sem_alloc : memref<!tpu.dma_semaphore, #tpu.memory_space<semaphore_mem>>
      %dma_start3A_581 = arith.constant 0 : i32
      %dma_start3A_582 = tpu.memref_slice %arg5[%add3A_394, %dma_start3A_581] : memref<204800x32xi32, #tpu.memory_space<hbm>> -> memref<640x32xi32, #tpu.memory_space<hbm>>
      %dma_start3A_583 = arith.constant 0 : i32
      %dma_start3A_584 = tpu.memref_slice %arg5[%add3A_394, %dma_start3A_583] : memref<204800x32xi32, #tpu.memory_space<hbm>> -> memref<640x32xi32, #tpu.memory_space<hbm>>
      tpu.enqueue_dma source(%arg10 : memref<640x32xi32, #tpu.memory_space<vmem>>) target(%dma_start3A_584 : memref<640x32xi32, #tpu.memory_space<hbm>>) target_semaphore(%run_scoped3A : memref<!tpu.dma_semaphore, #tpu.memory_space<semaphore_mem>>)
      %dma_wait3A_585 = arith.constant 0 : i32
      %dma_wait3A_586 = tpu.memref_slice %arg5[%add3A_394, %dma_wait3A_585] : memref<204800x32xi32, #tpu.memory_space<hbm>> -> memref<640x32xi32, #tpu.memory_space<hbm>>
      %dma_wait3A_587 = arith.constant 0 : i32
      %dma_wait3A_588 = tpu.memref_slice %arg5[%add3A_394, %dma_wait3A_587] : memref<204800x32xi32, #tpu.memory_space<hbm>> -> memref<640x32xi32, #tpu.memory_space<hbm>>
      tpu.wait_dma2 semaphore(%run_scoped3A : memref<!tpu.dma_semaphore, #tpu.memory_space<semaphore_mem>>) src(%arg10 : memref<640x32xi32, #tpu.memory_space<vmem>>) dst(%dma_wait3A_588 : memref<640x32xi32, #tpu.memory_space<hbm>>)
      tpu.yield
    }) : () -> ()
    %dma_start3A_399 = arith.constant 35 : i32
    %dma_start3A_400 = arith.constant 0 : i32
    %dma_start3A_401 = arith.constant 0 : i32
    %dma_start3A_402 = tpu.memref_slice %arg10[%dma_start3A_400, %dma_start3A_401] : memref<640x32xi32, #tpu.memory_space<vmem>> -> memref<128x32xi32, #tpu.memory_space<vmem>>
    %dma_start3A_403 = arith.constant 0 : i32
    %dma_start3A_404 = tpu.memref_slice %arg7[%dma_start3A_399, %dma_start3A_403] : memref<50x128xi32, #tpu.memory_space<vmem>> -> memref<1x128xi32, #tpu.memory_space<vmem>>
    %dma_start3A_405 = tpu.memref_squeeze %dma_start3A_404 : memref<1x128xi32, #tpu.memory_space<vmem>> -> memref<128xi32, #tpu.memory_space<vmem>>
    %dma_start3A_406 = arith.constant 0 : i32
    %dma_start3A_407 = arith.constant 0 : i32
    %dma_start3A_408 = tpu.memref_slice %arg4[%dma_start3A_406, %dma_start3A_407] : memref<100000x32xi32, #tpu.memory_space<hbm>> -> memref<100000x32xi32, #tpu.memory_space<hbm>>
    tpu.enqueue_indirect_dma source(%dma_start3A_408 : memref<100000x32xi32, #tpu.memory_space<hbm>>) target(%dma_start3A_402 : memref<128x32xi32, #tpu.memory_space<vmem>>) offsets(%dma_start3A_405 : memref<128xi32, #tpu.memory_space<vmem>>) semaphore(%arg12 : memref<!tpu.dma_semaphore, #tpu.memory_space<semaphore_mem>>)
    %dma_start3A_409 = arith.constant 36 : i32
    %dma_start3A_410 = arith.constant 128 : i32
    %dma_start3A_411 = arith.constant 0 : i32
    %dma_start3A_412 = tpu.memref_slice %arg10[%dma_start3A_410, %dma_start3A_411] : memref<640x32xi32, #tpu.memory_space<vmem>> -> memref<128x32xi32, #tpu.memory_space<vmem>>
    %dma_start3A_413 = arith.constant 0 : i32
    %dma_start3A_414 = tpu.memref_slice %arg7[%dma_start3A_409, %dma_start3A_413] : memref<50x128xi32, #tpu.memory_space<vmem>> -> memref<1x128xi32, #tpu.memory_space<vmem>>
    %dma_start3A_415 = tpu.memref_squeeze %dma_start3A_414 : memref<1x128xi32, #tpu.memory_space<vmem>> -> memref<128xi32, #tpu.memory_space<vmem>>
    %dma_start3A_416 = arith.constant 0 : i32
    %dma_start3A_417 = arith.constant 0 : i32
    %dma_start3A_418 = tpu.memref_slice %arg4[%dma_start3A_416, %dma_start3A_417] : memref<100000x32xi32, #tpu.memory_space<hbm>> -> memref<100000x32xi32, #tpu.memory_space<hbm>>
    tpu.enqueue_indirect_dma source(%dma_start3A_418 : memref<100000x32xi32, #tpu.memory_space<hbm>>) target(%dma_start3A_412 : memref<128x32xi32, #tpu.memory_space<vmem>>) offsets(%dma_start3A_415 : memref<128xi32, #tpu.memory_space<vmem>>) semaphore(%arg12 : memref<!tpu.dma_semaphore, #tpu.memory_space<semaphore_mem>>)
    %dma_start3A_419 = arith.constant 37 : i32
    %dma_start3A_420 = arith.constant 256 : i32
    %dma_start3A_421 = arith.constant 0 : i32
    %dma_start3A_422 = tpu.memref_slice %arg10[%dma_start3A_420, %dma_start3A_421] : memref<640x32xi32, #tpu.memory_space<vmem>> -> memref<128x32xi32, #tpu.memory_space<vmem>>
    %dma_start3A_423 = arith.constant 0 : i32
    %dma_start3A_424 = tpu.memref_slice %arg7[%dma_start3A_419, %dma_start3A_423] : memref<50x128xi32, #tpu.memory_space<vmem>> -> memref<1x128xi32, #tpu.memory_space<vmem>>
    %dma_start3A_425 = tpu.memref_squeeze %dma_start3A_424 : memref<1x128xi32, #tpu.memory_space<vmem>> -> memref<128xi32, #tpu.memory_space<vmem>>
    %dma_start3A_426 = arith.constant 0 : i32
    %dma_start3A_427 = arith.constant 0 : i32
    %dma_start3A_428 = tpu.memref_slice %arg4[%dma_start3A_426, %dma_start3A_427] : memref<100000x32xi32, #tpu.memory_space<hbm>> -> memref<100000x32xi32, #tpu.memory_space<hbm>>
    tpu.enqueue_indirect_dma source(%dma_start3A_428 : memref<100000x32xi32, #tpu.memory_space<hbm>>) target(%dma_start3A_422 : memref<128x32xi32, #tpu.memory_space<vmem>>) offsets(%dma_start3A_425 : memref<128xi32, #tpu.memory_space<vmem>>) semaphore(%arg12 : memref<!tpu.dma_semaphore, #tpu.memory_space<semaphore_mem>>)
    %dma_start3A_429 = arith.constant 38 : i32
    %dma_start3A_430 = arith.constant 384 : i32
    %dma_start3A_431 = arith.constant 0 : i32
    %dma_start3A_432 = tpu.memref_slice %arg10[%dma_start3A_430, %dma_start3A_431] : memref<640x32xi32, #tpu.memory_space<vmem>> -> memref<128x32xi32, #tpu.memory_space<vmem>>
    %dma_start3A_433 = arith.constant 0 : i32
    %dma_start3A_434 = tpu.memref_slice %arg7[%dma_start3A_429, %dma_start3A_433] : memref<50x128xi32, #tpu.memory_space<vmem>> -> memref<1x128xi32, #tpu.memory_space<vmem>>
    %dma_start3A_435 = tpu.memref_squeeze %dma_start3A_434 : memref<1x128xi32, #tpu.memory_space<vmem>> -> memref<128xi32, #tpu.memory_space<vmem>>
    %dma_start3A_436 = arith.constant 0 : i32
    %dma_start3A_437 = arith.constant 0 : i32
    %dma_start3A_438 = tpu.memref_slice %arg4[%dma_start3A_436, %dma_start3A_437] : memref<100000x32xi32, #tpu.memory_space<hbm>> -> memref<100000x32xi32, #tpu.memory_space<hbm>>
    tpu.enqueue_indirect_dma source(%dma_start3A_438 : memref<100000x32xi32, #tpu.memory_space<hbm>>) target(%dma_start3A_432 : memref<128x32xi32, #tpu.memory_space<vmem>>) offsets(%dma_start3A_435 : memref<128xi32, #tpu.memory_space<vmem>>) semaphore(%arg12 : memref<!tpu.dma_semaphore, #tpu.memory_space<semaphore_mem>>)
    %dma_start3A_439 = arith.constant 39 : i32
    %dma_start3A_440 = arith.constant 512 : i32
    %dma_start3A_441 = arith.constant 0 : i32
    %dma_start3A_442 = tpu.memref_slice %arg10[%dma_start3A_440, %dma_start3A_441] : memref<640x32xi32, #tpu.memory_space<vmem>> -> memref<128x32xi32, #tpu.memory_space<vmem>>
    %dma_start3A_443 = arith.constant 0 : i32
    %dma_start3A_444 = tpu.memref_slice %arg7[%dma_start3A_439, %dma_start3A_443] : memref<50x128xi32, #tpu.memory_space<vmem>> -> memref<1x128xi32, #tpu.memory_space<vmem>>
    %dma_start3A_445 = tpu.memref_squeeze %dma_start3A_444 : memref<1x128xi32, #tpu.memory_space<vmem>> -> memref<128xi32, #tpu.memory_space<vmem>>
    %dma_start3A_446 = arith.constant 0 : i32
    %dma_start3A_447 = arith.constant 0 : i32
    %dma_start3A_448 = tpu.memref_slice %arg4[%dma_start3A_446, %dma_start3A_447] : memref<100000x32xi32, #tpu.memory_space<hbm>> -> memref<100000x32xi32, #tpu.memory_space<hbm>>
    tpu.enqueue_indirect_dma source(%dma_start3A_448 : memref<100000x32xi32, #tpu.memory_space<hbm>>) target(%dma_start3A_442 : memref<128x32xi32, #tpu.memory_space<vmem>>) offsets(%dma_start3A_445 : memref<128xi32, #tpu.memory_space<vmem>>) semaphore(%arg12 : memref<!tpu.dma_semaphore, #tpu.memory_space<semaphore_mem>>)
    %mul3A_449 = arith.constant 6400 : i32
    %mul3A_450 = arith.muli %add3A, %mul3A_449 : i32
    %add3A_451 = arith.constant 3840 : i32
    %add3A_452 = arith.addi %mul3A_450, %add3A_451 : i32
    %dma_wait3A_453 = arith.constant 0 : i32
    %dma_wait3A_454 = tpu.memref_slice %arg5[%add3A_452, %dma_wait3A_453] : memref<204800x32xi32, #tpu.memory_space<hbm>> -> memref<640x32xi32, #tpu.memory_space<hbm>>
    %dma_wait3A_455 = arith.constant 0 : i32
    %dma_wait3A_456 = tpu.memref_slice %arg5[%add3A_452, %dma_wait3A_455] : memref<204800x32xi32, #tpu.memory_space<hbm>> -> memref<640x32xi32, #tpu.memory_space<hbm>>
    tpu.wait_dma2 semaphore(%arg11 : memref<!tpu.dma_semaphore, #tpu.memory_space<semaphore_mem>>) src(%dma_wait3A_456 : memref<640x32xi32, #tpu.memory_space<hbm>>) dst(%arg9 : memref<640x32xi32, #tpu.memory_space<vmem>>)
    "tpu.region"() ({
      %run_scoped3A = tpu.sem_alloc : memref<!tpu.dma_semaphore, #tpu.memory_space<semaphore_mem>>
      %dma_start3A_581 = arith.constant 0 : i32
      %dma_start3A_582 = tpu.memref_slice %arg5[%add3A_452, %dma_start3A_581] : memref<204800x32xi32, #tpu.memory_space<hbm>> -> memref<640x32xi32, #tpu.memory_space<hbm>>
      %dma_start3A_583 = arith.constant 0 : i32
      %dma_start3A_584 = tpu.memref_slice %arg5[%add3A_452, %dma_start3A_583] : memref<204800x32xi32, #tpu.memory_space<hbm>> -> memref<640x32xi32, #tpu.memory_space<hbm>>
      tpu.enqueue_dma source(%arg9 : memref<640x32xi32, #tpu.memory_space<vmem>>) target(%dma_start3A_584 : memref<640x32xi32, #tpu.memory_space<hbm>>) target_semaphore(%run_scoped3A : memref<!tpu.dma_semaphore, #tpu.memory_space<semaphore_mem>>)
      %dma_wait3A_585 = arith.constant 0 : i32
      %dma_wait3A_586 = tpu.memref_slice %arg5[%add3A_452, %dma_wait3A_585] : memref<204800x32xi32, #tpu.memory_space<hbm>> -> memref<640x32xi32, #tpu.memory_space<hbm>>
      %dma_wait3A_587 = arith.constant 0 : i32
      %dma_wait3A_588 = tpu.memref_slice %arg5[%add3A_452, %dma_wait3A_587] : memref<204800x32xi32, #tpu.memory_space<hbm>> -> memref<640x32xi32, #tpu.memory_space<hbm>>
      tpu.wait_dma2 semaphore(%run_scoped3A : memref<!tpu.dma_semaphore, #tpu.memory_space<semaphore_mem>>) src(%arg9 : memref<640x32xi32, #tpu.memory_space<vmem>>) dst(%dma_wait3A_588 : memref<640x32xi32, #tpu.memory_space<hbm>>)
      tpu.yield
    }) : () -> ()
    %dma_start3A_457 = arith.constant 40 : i32
    %dma_start3A_458 = arith.constant 0 : i32
    %dma_start3A_459 = arith.constant 0 : i32
    %dma_start3A_460 = tpu.memref_slice %arg9[%dma_start3A_458, %dma_start3A_459] : memref<640x32xi32, #tpu.memory_space<vmem>> -> memref<128x32xi32, #tpu.memory_space<vmem>>
    %dma_start3A_461 = arith.constant 0 : i32
    %dma_start3A_462 = tpu.memref_slice %arg7[%dma_start3A_457, %dma_start3A_461] : memref<50x128xi32, #tpu.memory_space<vmem>> -> memref<1x128xi32, #tpu.memory_space<vmem>>
    %dma_start3A_463 = tpu.memref_squeeze %dma_start3A_462 : memref<1x128xi32, #tpu.memory_space<vmem>> -> memref<128xi32, #tpu.memory_space<vmem>>
    %dma_start3A_464 = arith.constant 0 : i32
    %dma_start3A_465 = arith.constant 0 : i32
    %dma_start3A_466 = tpu.memref_slice %arg4[%dma_start3A_464, %dma_start3A_465] : memref<100000x32xi32, #tpu.memory_space<hbm>> -> memref<100000x32xi32, #tpu.memory_space<hbm>>
    tpu.enqueue_indirect_dma source(%dma_start3A_466 : memref<100000x32xi32, #tpu.memory_space<hbm>>) target(%dma_start3A_460 : memref<128x32xi32, #tpu.memory_space<vmem>>) offsets(%dma_start3A_463 : memref<128xi32, #tpu.memory_space<vmem>>) semaphore(%arg11 : memref<!tpu.dma_semaphore, #tpu.memory_space<semaphore_mem>>)
    %dma_start3A_467 = arith.constant 41 : i32
    %dma_start3A_468 = arith.constant 128 : i32
    %dma_start3A_469 = arith.constant 0 : i32
    %dma_start3A_470 = tpu.memref_slice %arg9[%dma_start3A_468, %dma_start3A_469] : memref<640x32xi32, #tpu.memory_space<vmem>> -> memref<128x32xi32, #tpu.memory_space<vmem>>
    %dma_start3A_471 = arith.constant 0 : i32
    %dma_start3A_472 = tpu.memref_slice %arg7[%dma_start3A_467, %dma_start3A_471] : memref<50x128xi32, #tpu.memory_space<vmem>> -> memref<1x128xi32, #tpu.memory_space<vmem>>
    %dma_start3A_473 = tpu.memref_squeeze %dma_start3A_472 : memref<1x128xi32, #tpu.memory_space<vmem>> -> memref<128xi32, #tpu.memory_space<vmem>>
    %dma_start3A_474 = arith.constant 0 : i32
    %dma_start3A_475 = arith.constant 0 : i32
    %dma_start3A_476 = tpu.memref_slice %arg4[%dma_start3A_474, %dma_start3A_475] : memref<100000x32xi32, #tpu.memory_space<hbm>> -> memref<100000x32xi32, #tpu.memory_space<hbm>>
    tpu.enqueue_indirect_dma source(%dma_start3A_476 : memref<100000x32xi32, #tpu.memory_space<hbm>>) target(%dma_start3A_470 : memref<128x32xi32, #tpu.memory_space<vmem>>) offsets(%dma_start3A_473 : memref<128xi32, #tpu.memory_space<vmem>>) semaphore(%arg11 : memref<!tpu.dma_semaphore, #tpu.memory_space<semaphore_mem>>)
    %dma_start3A_477 = arith.constant 42 : i32
    %dma_start3A_478 = arith.constant 256 : i32
    %dma_start3A_479 = arith.constant 0 : i32
    %dma_start3A_480 = tpu.memref_slice %arg9[%dma_start3A_478, %dma_start3A_479] : memref<640x32xi32, #tpu.memory_space<vmem>> -> memref<128x32xi32, #tpu.memory_space<vmem>>
    %dma_start3A_481 = arith.constant 0 : i32
    %dma_start3A_482 = tpu.memref_slice %arg7[%dma_start3A_477, %dma_start3A_481] : memref<50x128xi32, #tpu.memory_space<vmem>> -> memref<1x128xi32, #tpu.memory_space<vmem>>
    %dma_start3A_483 = tpu.memref_squeeze %dma_start3A_482 : memref<1x128xi32, #tpu.memory_space<vmem>> -> memref<128xi32, #tpu.memory_space<vmem>>
    %dma_start3A_484 = arith.constant 0 : i32
    %dma_start3A_485 = arith.constant 0 : i32
    %dma_start3A_486 = tpu.memref_slice %arg4[%dma_start3A_484, %dma_start3A_485] : memref<100000x32xi32, #tpu.memory_space<hbm>> -> memref<100000x32xi32, #tpu.memory_space<hbm>>
    tpu.enqueue_indirect_dma source(%dma_start3A_486 : memref<100000x32xi32, #tpu.memory_space<hbm>>) target(%dma_start3A_480 : memref<128x32xi32, #tpu.memory_space<vmem>>) offsets(%dma_start3A_483 : memref<128xi32, #tpu.memory_space<vmem>>) semaphore(%arg11 : memref<!tpu.dma_semaphore, #tpu.memory_space<semaphore_mem>>)
    %dma_start3A_487 = arith.constant 43 : i32
    %dma_start3A_488 = arith.constant 384 : i32
    %dma_start3A_489 = arith.constant 0 : i32
    %dma_start3A_490 = tpu.memref_slice %arg9[%dma_start3A_488, %dma_start3A_489] : memref<640x32xi32, #tpu.memory_space<vmem>> -> memref<128x32xi32, #tpu.memory_space<vmem>>
    %dma_start3A_491 = arith.constant 0 : i32
    %dma_start3A_492 = tpu.memref_slice %arg7[%dma_start3A_487, %dma_start3A_491] : memref<50x128xi32, #tpu.memory_space<vmem>> -> memref<1x128xi32, #tpu.memory_space<vmem>>
    %dma_start3A_493 = tpu.memref_squeeze %dma_start3A_492 : memref<1x128xi32, #tpu.memory_space<vmem>> -> memref<128xi32, #tpu.memory_space<vmem>>
    %dma_start3A_494 = arith.constant 0 : i32
    %dma_start3A_495 = arith.constant 0 : i32
    %dma_start3A_496 = tpu.memref_slice %arg4[%dma_start3A_494, %dma_start3A_495] : memref<100000x32xi32, #tpu.memory_space<hbm>> -> memref<100000x32xi32, #tpu.memory_space<hbm>>
    tpu.enqueue_indirect_dma source(%dma_start3A_496 : memref<100000x32xi32, #tpu.memory_space<hbm>>) target(%dma_start3A_490 : memref<128x32xi32, #tpu.memory_space<vmem>>) offsets(%dma_start3A_493 : memref<128xi32, #tpu.memory_space<vmem>>) semaphore(%arg11 : memref<!tpu.dma_semaphore, #tpu.memory_space<semaphore_mem>>)
    %dma_start3A_497 = arith.constant 44 : i32
    %dma_start3A_498 = arith.constant 512 : i32
    %dma_start3A_499 = arith.constant 0 : i32
    %dma_start3A_500 = tpu.memref_slice %arg9[%dma_start3A_498, %dma_start3A_499] : memref<640x32xi32, #tpu.memory_space<vmem>> -> memref<128x32xi32, #tpu.memory_space<vmem>>
    %dma_start3A_501 = arith.constant 0 : i32
    %dma_start3A_502 = tpu.memref_slice %arg7[%dma_start3A_497, %dma_start3A_501] : memref<50x128xi32, #tpu.memory_space<vmem>> -> memref<1x128xi32, #tpu.memory_space<vmem>>
    %dma_start3A_503 = tpu.memref_squeeze %dma_start3A_502 : memref<1x128xi32, #tpu.memory_space<vmem>> -> memref<128xi32, #tpu.memory_space<vmem>>
    %dma_start3A_504 = arith.constant 0 : i32
    %dma_start3A_505 = arith.constant 0 : i32
    %dma_start3A_506 = tpu.memref_slice %arg4[%dma_start3A_504, %dma_start3A_505] : memref<100000x32xi32, #tpu.memory_space<hbm>> -> memref<100000x32xi32, #tpu.memory_space<hbm>>
    tpu.enqueue_indirect_dma source(%dma_start3A_506 : memref<100000x32xi32, #tpu.memory_space<hbm>>) target(%dma_start3A_500 : memref<128x32xi32, #tpu.memory_space<vmem>>) offsets(%dma_start3A_503 : memref<128xi32, #tpu.memory_space<vmem>>) semaphore(%arg11 : memref<!tpu.dma_semaphore, #tpu.memory_space<semaphore_mem>>)
    %mul3A_507 = arith.constant 6400 : i32
    %mul3A_508 = arith.muli %add3A, %mul3A_507 : i32
    %add3A_509 = arith.constant 4480 : i32
    %add3A_510 = arith.addi %mul3A_508, %add3A_509 : i32
    %dma_wait3A_511 = arith.constant 0 : i32
    %dma_wait3A_512 = tpu.memref_slice %arg5[%add3A_510, %dma_wait3A_511] : memref<204800x32xi32, #tpu.memory_space<hbm>> -> memref<640x32xi32, #tpu.memory_space<hbm>>
    %dma_wait3A_513 = arith.constant 0 : i32
    %dma_wait3A_514 = tpu.memref_slice %arg5[%add3A_510, %dma_wait3A_513] : memref<204800x32xi32, #tpu.memory_space<hbm>> -> memref<640x32xi32, #tpu.memory_space<hbm>>
    tpu.wait_dma2 semaphore(%arg12 : memref<!tpu.dma_semaphore, #tpu.memory_space<semaphore_mem>>) src(%dma_wait3A_514 : memref<640x32xi32, #tpu.memory_space<hbm>>) dst(%arg10 : memref<640x32xi32, #tpu.memory_space<vmem>>)
    "tpu.region"() ({
      %run_scoped3A = tpu.sem_alloc : memref<!tpu.dma_semaphore, #tpu.memory_space<semaphore_mem>>
      %dma_start3A_581 = arith.constant 0 : i32
      %dma_start3A_582 = tpu.memref_slice %arg5[%add3A_510, %dma_start3A_581] : memref<204800x32xi32, #tpu.memory_space<hbm>> -> memref<640x32xi32, #tpu.memory_space<hbm>>
      %dma_start3A_583 = arith.constant 0 : i32
      %dma_start3A_584 = tpu.memref_slice %arg5[%add3A_510, %dma_start3A_583] : memref<204800x32xi32, #tpu.memory_space<hbm>> -> memref<640x32xi32, #tpu.memory_space<hbm>>
      tpu.enqueue_dma source(%arg10 : memref<640x32xi32, #tpu.memory_space<vmem>>) target(%dma_start3A_584 : memref<640x32xi32, #tpu.memory_space<hbm>>) target_semaphore(%run_scoped3A : memref<!tpu.dma_semaphore, #tpu.memory_space<semaphore_mem>>)
      %dma_wait3A_585 = arith.constant 0 : i32
      %dma_wait3A_586 = tpu.memref_slice %arg5[%add3A_510, %dma_wait3A_585] : memref<204800x32xi32, #tpu.memory_space<hbm>> -> memref<640x32xi32, #tpu.memory_space<hbm>>
      %dma_wait3A_587 = arith.constant 0 : i32
      %dma_wait3A_588 = tpu.memref_slice %arg5[%add3A_510, %dma_wait3A_587] : memref<204800x32xi32, #tpu.memory_space<hbm>> -> memref<640x32xi32, #tpu.memory_space<hbm>>
      tpu.wait_dma2 semaphore(%run_scoped3A : memref<!tpu.dma_semaphore, #tpu.memory_space<semaphore_mem>>) src(%arg10 : memref<640x32xi32, #tpu.memory_space<vmem>>) dst(%dma_wait3A_588 : memref<640x32xi32, #tpu.memory_space<hbm>>)
      tpu.yield
    }) : () -> ()
    %dma_start3A_515 = arith.constant 45 : i32
    %dma_start3A_516 = arith.constant 0 : i32
    %dma_start3A_517 = arith.constant 0 : i32
    %dma_start3A_518 = tpu.memref_slice %arg10[%dma_start3A_516, %dma_start3A_517] : memref<640x32xi32, #tpu.memory_space<vmem>> -> memref<128x32xi32, #tpu.memory_space<vmem>>
    %dma_start3A_519 = arith.constant 0 : i32
    %dma_start3A_520 = tpu.memref_slice %arg7[%dma_start3A_515, %dma_start3A_519] : memref<50x128xi32, #tpu.memory_space<vmem>> -> memref<1x128xi32, #tpu.memory_space<vmem>>
    %dma_start3A_521 = tpu.memref_squeeze %dma_start3A_520 : memref<1x128xi32, #tpu.memory_space<vmem>> -> memref<128xi32, #tpu.memory_space<vmem>>
    %dma_start3A_522 = arith.constant 0 : i32
    %dma_start3A_523 = arith.constant 0 : i32
    %dma_start3A_524 = tpu.memref_slice %arg4[%dma_start3A_522, %dma_start3A_523] : memref<100000x32xi32, #tpu.memory_space<hbm>> -> memref<100000x32xi32, #tpu.memory_space<hbm>>
    tpu.enqueue_indirect_dma source(%dma_start3A_524 : memref<100000x32xi32, #tpu.memory_space<hbm>>) target(%dma_start3A_518 : memref<128x32xi32, #tpu.memory_space<vmem>>) offsets(%dma_start3A_521 : memref<128xi32, #tpu.memory_space<vmem>>) semaphore(%arg12 : memref<!tpu.dma_semaphore, #tpu.memory_space<semaphore_mem>>)
    %dma_start3A_525 = arith.constant 46 : i32
    %dma_start3A_526 = arith.constant 128 : i32
    %dma_start3A_527 = arith.constant 0 : i32
    %dma_start3A_528 = tpu.memref_slice %arg10[%dma_start3A_526, %dma_start3A_527] : memref<640x32xi32, #tpu.memory_space<vmem>> -> memref<128x32xi32, #tpu.memory_space<vmem>>
    %dma_start3A_529 = arith.constant 0 : i32
    %dma_start3A_530 = tpu.memref_slice %arg7[%dma_start3A_525, %dma_start3A_529] : memref<50x128xi32, #tpu.memory_space<vmem>> -> memref<1x128xi32, #tpu.memory_space<vmem>>
    %dma_start3A_531 = tpu.memref_squeeze %dma_start3A_530 : memref<1x128xi32, #tpu.memory_space<vmem>> -> memref<128xi32, #tpu.memory_space<vmem>>
    %dma_start3A_532 = arith.constant 0 : i32
    %dma_start3A_533 = arith.constant 0 : i32
    %dma_start3A_534 = tpu.memref_slice %arg4[%dma_start3A_532, %dma_start3A_533] : memref<100000x32xi32, #tpu.memory_space<hbm>> -> memref<100000x32xi32, #tpu.memory_space<hbm>>
    tpu.enqueue_indirect_dma source(%dma_start3A_534 : memref<100000x32xi32, #tpu.memory_space<hbm>>) target(%dma_start3A_528 : memref<128x32xi32, #tpu.memory_space<vmem>>) offsets(%dma_start3A_531 : memref<128xi32, #tpu.memory_space<vmem>>) semaphore(%arg12 : memref<!tpu.dma_semaphore, #tpu.memory_space<semaphore_mem>>)
    %dma_start3A_535 = arith.constant 47 : i32
    %dma_start3A_536 = arith.constant 256 : i32
    %dma_start3A_537 = arith.constant 0 : i32
    %dma_start3A_538 = tpu.memref_slice %arg10[%dma_start3A_536, %dma_start3A_537] : memref<640x32xi32, #tpu.memory_space<vmem>> -> memref<128x32xi32, #tpu.memory_space<vmem>>
    %dma_start3A_539 = arith.constant 0 : i32
    %dma_start3A_540 = tpu.memref_slice %arg7[%dma_start3A_535, %dma_start3A_539] : memref<50x128xi32, #tpu.memory_space<vmem>> -> memref<1x128xi32, #tpu.memory_space<vmem>>
    %dma_start3A_541 = tpu.memref_squeeze %dma_start3A_540 : memref<1x128xi32, #tpu.memory_space<vmem>> -> memref<128xi32, #tpu.memory_space<vmem>>
    %dma_start3A_542 = arith.constant 0 : i32
    %dma_start3A_543 = arith.constant 0 : i32
    %dma_start3A_544 = tpu.memref_slice %arg4[%dma_start3A_542, %dma_start3A_543] : memref<100000x32xi32, #tpu.memory_space<hbm>> -> memref<100000x32xi32, #tpu.memory_space<hbm>>
    tpu.enqueue_indirect_dma source(%dma_start3A_544 : memref<100000x32xi32, #tpu.memory_space<hbm>>) target(%dma_start3A_538 : memref<128x32xi32, #tpu.memory_space<vmem>>) offsets(%dma_start3A_541 : memref<128xi32, #tpu.memory_space<vmem>>) semaphore(%arg12 : memref<!tpu.dma_semaphore, #tpu.memory_space<semaphore_mem>>)
    %dma_start3A_545 = arith.constant 48 : i32
    %dma_start3A_546 = arith.constant 384 : i32
    %dma_start3A_547 = arith.constant 0 : i32
    %dma_start3A_548 = tpu.memref_slice %arg10[%dma_start3A_546, %dma_start3A_547] : memref<640x32xi32, #tpu.memory_space<vmem>> -> memref<128x32xi32, #tpu.memory_space<vmem>>
    %dma_start3A_549 = arith.constant 0 : i32
    %dma_start3A_550 = tpu.memref_slice %arg7[%dma_start3A_545, %dma_start3A_549] : memref<50x128xi32, #tpu.memory_space<vmem>> -> memref<1x128xi32, #tpu.memory_space<vmem>>
    %dma_start3A_551 = tpu.memref_squeeze %dma_start3A_550 : memref<1x128xi32, #tpu.memory_space<vmem>> -> memref<128xi32, #tpu.memory_space<vmem>>
    %dma_start3A_552 = arith.constant 0 : i32
    %dma_start3A_553 = arith.constant 0 : i32
    %dma_start3A_554 = tpu.memref_slice %arg4[%dma_start3A_552, %dma_start3A_553] : memref<100000x32xi32, #tpu.memory_space<hbm>> -> memref<100000x32xi32, #tpu.memory_space<hbm>>
    tpu.enqueue_indirect_dma source(%dma_start3A_554 : memref<100000x32xi32, #tpu.memory_space<hbm>>) target(%dma_start3A_548 : memref<128x32xi32, #tpu.memory_space<vmem>>) offsets(%dma_start3A_551 : memref<128xi32, #tpu.memory_space<vmem>>) semaphore(%arg12 : memref<!tpu.dma_semaphore, #tpu.memory_space<semaphore_mem>>)
    %dma_start3A_555 = arith.constant 49 : i32
    %dma_start3A_556 = arith.constant 512 : i32
    %dma_start3A_557 = arith.constant 0 : i32
    %dma_start3A_558 = tpu.memref_slice %arg10[%dma_start3A_556, %dma_start3A_557] : memref<640x32xi32, #tpu.memory_space<vmem>> -> memref<128x32xi32, #tpu.memory_space<vmem>>
    %dma_start3A_559 = arith.constant 0 : i32
    %dma_start3A_560 = tpu.memref_slice %arg7[%dma_start3A_555, %dma_start3A_559] : memref<50x128xi32, #tpu.memory_space<vmem>> -> memref<1x128xi32, #tpu.memory_space<vmem>>
    %dma_start3A_561 = tpu.memref_squeeze %dma_start3A_560 : memref<1x128xi32, #tpu.memory_space<vmem>> -> memref<128xi32, #tpu.memory_space<vmem>>
    %dma_start3A_562 = arith.constant 0 : i32
    %dma_start3A_563 = arith.constant 0 : i32
    %dma_start3A_564 = tpu.memref_slice %arg4[%dma_start3A_562, %dma_start3A_563] : memref<100000x32xi32, #tpu.memory_space<hbm>> -> memref<100000x32xi32, #tpu.memory_space<hbm>>
    tpu.enqueue_indirect_dma source(%dma_start3A_564 : memref<100000x32xi32, #tpu.memory_space<hbm>>) target(%dma_start3A_558 : memref<128x32xi32, #tpu.memory_space<vmem>>) offsets(%dma_start3A_561 : memref<128xi32, #tpu.memory_space<vmem>>) semaphore(%arg12 : memref<!tpu.dma_semaphore, #tpu.memory_space<semaphore_mem>>)
    %mul3A_565 = arith.constant 6400 : i32
    %mul3A_566 = arith.muli %add3A, %mul3A_565 : i32
    %add3A_567 = arith.constant 5120 : i32
    %add3A_568 = arith.addi %mul3A_566, %add3A_567 : i32
    %dma_wait3A_569 = arith.constant 0 : i32
    %dma_wait3A_570 = tpu.memref_slice %arg5[%add3A_568, %dma_wait3A_569] : memref<204800x32xi32, #tpu.memory_space<hbm>> -> memref<640x32xi32, #tpu.memory_space<hbm>>
    %dma_wait3A_571 = arith.constant 0 : i32
    %dma_wait3A_572 = tpu.memref_slice %arg5[%add3A_568, %dma_wait3A_571] : memref<204800x32xi32, #tpu.memory_space<hbm>> -> memref<640x32xi32, #tpu.memory_space<hbm>>
    tpu.wait_dma2 semaphore(%arg11 : memref<!tpu.dma_semaphore, #tpu.memory_space<semaphore_mem>>) src(%dma_wait3A_572 : memref<640x32xi32, #tpu.memory_space<hbm>>) dst(%arg9 : memref<640x32xi32, #tpu.memory_space<vmem>>)
    "tpu.region"() ({
      %run_scoped3A = tpu.sem_alloc : memref<!tpu.dma_semaphore, #tpu.memory_space<semaphore_mem>>
      %dma_start3A_581 = arith.constant 0 : i32
      %dma_start3A_582 = tpu.memref_slice %arg5[%add3A_568, %dma_start3A_581] : memref<204800x32xi32, #tpu.memory_space<hbm>> -> memref<640x32xi32, #tpu.memory_space<hbm>>
      %dma_start3A_583 = arith.constant 0 : i32
      %dma_start3A_584 = tpu.memref_slice %arg5[%add3A_568, %dma_start3A_583] : memref<204800x32xi32, #tpu.memory_space<hbm>> -> memref<640x32xi32, #tpu.memory_space<hbm>>
      tpu.enqueue_dma source(%arg9 : memref<640x32xi32, #tpu.memory_space<vmem>>) target(%dma_start3A_584 : memref<640x32xi32, #tpu.memory_space<hbm>>) target_semaphore(%run_scoped3A : memref<!tpu.dma_semaphore, #tpu.memory_space<semaphore_mem>>)
      %dma_wait3A_585 = arith.constant 0 : i32
      %dma_wait3A_586 = tpu.memref_slice %arg5[%add3A_568, %dma_wait3A_585] : memref<204800x32xi32, #tpu.memory_space<hbm>> -> memref<640x32xi32, #tpu.memory_space<hbm>>
      %dma_wait3A_587 = arith.constant 0 : i32
      %dma_wait3A_588 = tpu.memref_slice %arg5[%add3A_568, %dma_wait3A_587] : memref<204800x32xi32, #tpu.memory_space<hbm>> -> memref<640x32xi32, #tpu.memory_space<hbm>>
      tpu.wait_dma2 semaphore(%run_scoped3A : memref<!tpu.dma_semaphore, #tpu.memory_space<semaphore_mem>>) src(%arg9 : memref<640x32xi32, #tpu.memory_space<vmem>>) dst(%dma_wait3A_588 : memref<640x32xi32, #tpu.memory_space<hbm>>)
      tpu.yield
    }) : () -> ()
    %mul3A_573 = arith.constant 6400 : i32
    %mul3A_574 = arith.muli %add3A, %mul3A_573 : i32
    %add3A_575 = arith.constant 5760 : i32
    %add3A_576 = arith.addi %mul3A_574, %add3A_575 : i32
    %dma_wait3A_577 = arith.constant 0 : i32
    %dma_wait3A_578 = tpu.memref_slice %arg5[%add3A_576, %dma_wait3A_577] : memref<204800x32xi32, #tpu.memory_space<hbm>> -> memref<640x32xi32, #tpu.memory_space<hbm>>
    %dma_wait3A_579 = arith.constant 0 : i32
    %dma_wait3A_580 = tpu.memref_slice %arg5[%add3A_576, %dma_wait3A_579] : memref<204800x32xi32, #tpu.memory_space<hbm>> -> memref<640x32xi32, #tpu.memory_space<hbm>>
    tpu.wait_dma2 semaphore(%arg12 : memref<!tpu.dma_semaphore, #tpu.memory_space<semaphore_mem>>) src(%dma_wait3A_580 : memref<640x32xi32, #tpu.memory_space<hbm>>) dst(%arg10 : memref<640x32xi32, #tpu.memory_space<vmem>>)
    "tpu.region"() ({
      %run_scoped3A = tpu.sem_alloc : memref<!tpu.dma_semaphore, #tpu.memory_space<semaphore_mem>>
      %dma_start3A_581 = arith.constant 0 : i32
      %dma_start3A_582 = tpu.memref_slice %arg5[%add3A_576, %dma_start3A_581] : memref<204800x32xi32, #tpu.memory_space<hbm>> -> memref<640x32xi32, #tpu.memory_space<hbm>>
      %dma_start3A_583 = arith.constant 0 : i32
      %dma_start3A_584 = tpu.memref_slice %arg5[%add3A_576, %dma_start3A_583] : memref<204800x32xi32, #tpu.memory_space<hbm>> -> memref<640x32xi32, #tpu.memory_space<hbm>>
      tpu.enqueue_dma source(%arg10 : memref<640x32xi32, #tpu.memory_space<vmem>>) target(%dma_start3A_584 : memref<640x32xi32, #tpu.memory_space<hbm>>) target_semaphore(%run_scoped3A : memref<!tpu.dma_semaphore, #tpu.memory_space<semaphore_mem>>)
      %dma_wait3A_585 = arith.constant 0 : i32
      %dma_wait3A_586 = tpu.memref_slice %arg5[%add3A_576, %dma_wait3A_585] : memref<204800x32xi32, #tpu.memory_space<hbm>> -> memref<640x32xi32, #tpu.memory_space<hbm>>
      %dma_wait3A_587 = arith.constant 0 : i32
      %dma_wait3A_588 = tpu.memref_slice %arg5[%add3A_576, %dma_wait3A_587] : memref<204800x32xi32, #tpu.memory_space<hbm>> -> memref<640x32xi32, #tpu.memory_space<hbm>>
      tpu.wait_dma2 semaphore(%run_scoped3A : memref<!tpu.dma_semaphore, #tpu.memory_space<semaphore_mem>>) src(%arg10 : memref<640x32xi32, #tpu.memory_space<vmem>>) dst(%dma_wait3A_588 : memref<640x32xi32, #tpu.memory_space<hbm>>)
      tpu.yield
    }) : () -> ()
    return
  }
}

module attributes {stable_mosaic.version = 14 : i64} {
  func.func @_mlp_body(%arg0: i32, %arg1: memref<8192x32xi32, #tpu.memory_space<vmem>>, %arg2: memref<8192x1xi32, #tpu.memory_space<vmem>>, %arg3: memref<304x32xbf16, #tpu.memory_space<vmem>>, %arg4: memref<16x32xbf16, #tpu.memory_space<vmem>>, %arg5: memref<128x256xbf16, #tpu.memory_space<vmem>>, %arg6: memref<1x256xbf16, #tpu.memory_space<vmem>>, %arg7: memref<256x256xbf16, #tpu.memory_space<vmem>>, %arg8: memref<1x256xbf16, #tpu.memory_space<vmem>>, %arg9: memref<256x256xbf16, #tpu.memory_space<vmem>>, %arg10: memref<1x256xbf16, #tpu.memory_space<vmem>>, %arg11: memref<256x256xbf16, #tpu.memory_space<vmem>>, %arg12: memref<1x256xf32, #tpu.memory_space<vmem>>, %arg13: memref<1x1x256xf32, #tpu.memory_space<vmem>>, %arg14: memref<1x1xf32, #tpu.memory_space<vmem>>, %arg15: memref<64x128xf32, #tpu.memory_space<vmem>>) attributes {dimension_semantics = [#tpu.dimension_semantics<arbitrary>], iteration_bounds = array<i64: 25>, scalar_prefetch = 0 : i64, scratch_operands = 0 : i64, tpu.core_type = #tpu.core_type<tc>, window_params = [{transform_indices = @transform_0, window_bounds = array<i64: 8192, 32>}, {transform_indices = @transform_1, window_bounds = array<i64: 8192, 1>}, {pipeline_mode = #tpu.pipeline_mode<synchronous>, transform_indices = @transform_2, window_bounds = array<i64: 304, 32>}, {pipeline_mode = #tpu.pipeline_mode<synchronous>, transform_indices = @transform_3, window_bounds = array<i64: 16, 32>}, {pipeline_mode = #tpu.pipeline_mode<synchronous>, transform_indices = @transform_4, window_bounds = array<i64: 128, 256>}, {pipeline_mode = #tpu.pipeline_mode<synchronous>, transform_indices = @transform_5, window_bounds = array<i64: 1, 256>}, {pipeline_mode = #tpu.pipeline_mode<synchronous>, transform_indices = @transform_6, window_bounds = array<i64: 256, 256>}, {pipeline_mode = #tpu.pipeline_mode<synchronous>, transform_indices = @transform_7, window_bounds = array<i64: 1, 256>}, {pipeline_mode = #tpu.pipeline_mode<synchronous>, transform_indices = @transform_8, window_bounds = array<i64: 256, 256>}, {pipeline_mode = #tpu.pipeline_mode<synchronous>, transform_indices = @transform_9, window_bounds = array<i64: 1, 256>}, {pipeline_mode = #tpu.pipeline_mode<synchronous>, transform_indices = @transform_10, window_bounds = array<i64: 256, 256>}, {pipeline_mode = #tpu.pipeline_mode<synchronous>, transform_indices = @transform_11, window_bounds = array<i64: 1, 256>}, {pipeline_mode = #tpu.pipeline_mode<synchronous>, transform_indices = @transform_12, window_bounds = array<i64: 1, 1, 256>}, {pipeline_mode = #tpu.pipeline_mode<synchronous>, transform_indices = @transform_13, window_bounds = array<i64: 1, 1>}, {transform_indices = @transform_14, window_bounds = array<i64: 64, 128>}]} {
    %get3A = arith.constant 0 : index
    %get3A_0 = arith.constant 0 : index
    %get3A_1 = vector.load %arg1[%get3A, %get3A_0] : memref<8192x32xi32, #tpu.memory_space<vmem>>, vector<8192x32xi32>
    %shift_left3A = arith.constant 16 : i32
    %shift_left3A_2 = vector.broadcast %shift_left3A : i32 to vector<8192x32xi32>
    %shift_left3A_3 = arith.shli %get3A_1, %shift_left3A_2 : vector<8192x32xi32>
    %bitcast_convert_type3A = tpu.bitcast %shift_left3A_3 : vector<8192x32xi32> -> vector<8192x32xf32>
    %convert_element_type3A = arith.truncf %bitcast_convert_type3A : vector<8192x32xf32> to vector<8192x32xbf16>
    %and3A = arith.constant -65536 : i32
    %and3A_4 = vector.broadcast %and3A : i32 to vector<8192x32xi32>
    %and3A_5 = arith.andi %get3A_1, %and3A_4 : vector<8192x32xi32>
    %bitcast_convert_type3A_6 = tpu.bitcast %and3A_5 : vector<8192x32xi32> -> vector<8192x32xf32>
    %convert_element_type3A_7 = arith.truncf %bitcast_convert_type3A_6 : vector<8192x32xf32> to vector<8192x32xbf16>
    %get3A_8 = arith.constant 0 : index
    %get3A_9 = arith.constant 0 : index
    %get3A_10 = vector.load %arg2[%get3A_8, %get3A_9] : memref<8192x1xi32, #tpu.memory_space<vmem>>, vector<8192x1xi32>
    %shift_right_arithmetic3A = arith.constant 4 : i32
    %shift_right_arithmetic3A_11 = vector.broadcast %shift_right_arithmetic3A : i32 to vector<8192x1xi32>
    %shift_right_arithmetic3A_12 = arith.shrsi %get3A_10, %shift_right_arithmetic3A_11 : vector<8192x1xi32>
    %and3A_13 = arith.constant 15 : i32
    %and3A_14 = vector.broadcast %and3A_13 : i32 to vector<8192x1xi32>
    %and3A_15 = arith.andi %get3A_10, %and3A_14 : vector<8192x1xi32>
    %iota3A = tpu.iota {dimensions = array<i32: 1>} : vector<8192x304xi32>
    %eq3A = vector.broadcast %shift_right_arithmetic3A_12 : vector<8192x1xi32> to vector<8192x304xi32>
    %eq3A_16 = arith.cmpi eq, %iota3A, %eq3A : vector<8192x304xi32>
    %convert_element_type3A_17 = arith.extui %eq3A_16 : vector<8192x304xi1> to vector<8192x304xi32>
    %convert_element_type3A_18 = arith.sitofp %convert_element_type3A_17 : vector<8192x304xi32> to vector<8192x304xf32>
    %convert_element_type3A_19 = arith.truncf %convert_element_type3A_18 : vector<8192x304xf32> to vector<8192x304xbf16>
    %iota3A_20 = tpu.iota {dimensions = array<i32: 1>} : vector<8192x16xi32>
    %eq3A_21 = vector.broadcast %and3A_15 : vector<8192x1xi32> to vector<8192x16xi32>
    %eq3A_22 = arith.cmpi eq, %iota3A_20, %eq3A_21 : vector<8192x16xi32>
    %convert_element_type3A_23 = arith.extui %eq3A_22 : vector<8192x16xi1> to vector<8192x16xi32>
    %convert_element_type3A_24 = arith.sitofp %convert_element_type3A_23 : vector<8192x16xi32> to vector<8192x16xf32>
    %convert_element_type3A_25 = arith.truncf %convert_element_type3A_24 : vector<8192x16xf32> to vector<8192x16xbf16>
    %get3A_26 = arith.constant 0 : index
    %get3A_27 = arith.constant 0 : index
    %get3A_28 = vector.load %arg3[%get3A_26, %get3A_27] : memref<304x32xbf16, #tpu.memory_space<vmem>>, vector<304x32xbf16>
    %dot_general3A = arith.constant dense<0.000000e+00> : vector<8192x32xf32>
    %dot_general3A_29 = tpu.matmul %convert_element_type3A_19, %get3A_28, %dot_general3A {dimension_numbers = #tpu.dot_dimension_numbers<[1], [0], [0], [1], [0, 0, 1, 1], [], []>, transpose_lhs_hint = false} : vector<8192x304xbf16>, vector<304x32xbf16>, vector<8192x32xf32> -> vector<8192x32xf32>
    %convert_element_type3A_30 = arith.truncf %dot_general3A_29 : vector<8192x32xf32> to vector<8192x32xbf16>
    %get3A_31 = arith.constant 0 : index
    %get3A_32 = arith.constant 0 : index
    %get3A_33 = vector.load %arg4[%get3A_31, %get3A_32] : memref<16x32xbf16, #tpu.memory_space<vmem>>, vector<16x32xbf16>
    %dot_general3A_34 = arith.constant dense<0.000000e+00> : vector<8192x32xf32>
    %dot_general3A_35 = tpu.matmul %convert_element_type3A_25, %get3A_33, %dot_general3A_34 {dimension_numbers = #tpu.dot_dimension_numbers<[1], [0], [0], [1], [0, 0, 1, 1], [], []>, transpose_lhs_hint = false} : vector<8192x16xbf16>, vector<16x32xbf16>, vector<8192x32xf32> -> vector<8192x32xf32>
    %convert_element_type3A_36 = arith.truncf %dot_general3A_35 : vector<8192x32xf32> to vector<8192x32xbf16>
    %concatenate3A = tpu.concatenate %convert_element_type3A, %convert_element_type3A_7, %convert_element_type3A_30, %convert_element_type3A_36 in 1 : vector<8192x32xbf16>, vector<8192x32xbf16>, vector<8192x32xbf16>, vector<8192x32xbf16> -> vector<8192x128xbf16>
    %get3A_37 = arith.constant 0 : index
    %get3A_38 = arith.constant 0 : index
    %get3A_39 = vector.load %arg5[%get3A_37, %get3A_38] : memref<128x256xbf16, #tpu.memory_space<vmem>>, vector<128x256xbf16>
    %dot_general3A_40 = arith.constant dense<0.000000e+00> : vector<8192x256xf32>
    %dot_general3A_41 = tpu.matmul %concatenate3A, %get3A_39, %dot_general3A_40 {dimension_numbers = #tpu.dot_dimension_numbers<[1], [0], [0], [1], [0, 0, 1, 1], [], []>, transpose_lhs_hint = false} : vector<8192x128xbf16>, vector<128x256xbf16>, vector<8192x256xf32> -> vector<8192x256xf32>
    %convert_element_type3A_42 = arith.truncf %dot_general3A_41 : vector<8192x256xf32> to vector<8192x256xbf16>
    %get3A_43 = arith.constant 0 : index
    %get3A_44 = arith.constant 0 : index
    %get3A_45 = vector.load %arg6[%get3A_43, %get3A_44] : memref<1x256xbf16, #tpu.memory_space<vmem>>, vector<1x256xbf16>
    %add3A = vector.broadcast %get3A_45 : vector<1x256xbf16> to vector<8192x256xbf16>
    %add3A_46 = arith.addf %convert_element_type3A_42, %add3A : vector<8192x256xbf16>
    %max3A = arith.constant 0.000000e+00 : bf16
    %max3A_47 = vector.broadcast %max3A : bf16 to vector<8192x256xbf16>
    %max3A_48 = arith.maximumf %add3A_46, %max3A_47 : vector<8192x256xbf16>
    %get3A_49 = arith.constant 0 : index
    %get3A_50 = arith.constant 0 : index
    %get3A_51 = vector.load %arg7[%get3A_49, %get3A_50] : memref<256x256xbf16, #tpu.memory_space<vmem>>, vector<256x256xbf16>
    %dot_general3A_52 = arith.constant dense<0.000000e+00> : vector<8192x256xf32>
    %dot_general3A_53 = tpu.matmul %max3A_48, %get3A_51, %dot_general3A_52 {dimension_numbers = #tpu.dot_dimension_numbers<[1], [0], [0], [1], [0, 0, 1, 1], [], []>, transpose_lhs_hint = false} : vector<8192x256xbf16>, vector<256x256xbf16>, vector<8192x256xf32> -> vector<8192x256xf32>
    %convert_element_type3A_54 = arith.truncf %dot_general3A_53 : vector<8192x256xf32> to vector<8192x256xbf16>
    %get3A_55 = arith.constant 0 : index
    %get3A_56 = arith.constant 0 : index
    %get3A_57 = vector.load %arg8[%get3A_55, %get3A_56] : memref<1x256xbf16, #tpu.memory_space<vmem>>, vector<1x256xbf16>
    %add3A_58 = vector.broadcast %get3A_57 : vector<1x256xbf16> to vector<8192x256xbf16>
    %add3A_59 = arith.addf %convert_element_type3A_54, %add3A_58 : vector<8192x256xbf16>
    %max3A_60 = arith.constant 0.000000e+00 : bf16
    %max3A_61 = vector.broadcast %max3A_60 : bf16 to vector<8192x256xbf16>
    %max3A_62 = arith.maximumf %add3A_59, %max3A_61 : vector<8192x256xbf16>
    %get3A_63 = arith.constant 0 : index
    %get3A_64 = arith.constant 0 : index
    %get3A_65 = vector.load %arg9[%get3A_63, %get3A_64] : memref<256x256xbf16, #tpu.memory_space<vmem>>, vector<256x256xbf16>
    %dot_general3A_66 = arith.constant dense<0.000000e+00> : vector<8192x256xf32>
    %dot_general3A_67 = tpu.matmul %max3A_62, %get3A_65, %dot_general3A_66 {dimension_numbers = #tpu.dot_dimension_numbers<[1], [0], [0], [1], [0, 0, 1, 1], [], []>, transpose_lhs_hint = false} : vector<8192x256xbf16>, vector<256x256xbf16>, vector<8192x256xf32> -> vector<8192x256xf32>
    %convert_element_type3A_68 = arith.truncf %dot_general3A_67 : vector<8192x256xf32> to vector<8192x256xbf16>
    %get3A_69 = arith.constant 0 : index
    %get3A_70 = arith.constant 0 : index
    %get3A_71 = vector.load %arg10[%get3A_69, %get3A_70] : memref<1x256xbf16, #tpu.memory_space<vmem>>, vector<1x256xbf16>
    %add3A_72 = vector.broadcast %get3A_71 : vector<1x256xbf16> to vector<8192x256xbf16>
    %add3A_73 = arith.addf %convert_element_type3A_68, %add3A_72 : vector<8192x256xbf16>
    %max3A_74 = arith.constant 0.000000e+00 : bf16
    %max3A_75 = vector.broadcast %max3A_74 : bf16 to vector<8192x256xbf16>
    %max3A_76 = arith.maximumf %add3A_73, %max3A_75 : vector<8192x256xbf16>
    %get3A_77 = arith.constant 0 : index
    %get3A_78 = arith.constant 0 : index
    %get3A_79 = vector.load %arg11[%get3A_77, %get3A_78] : memref<256x256xbf16, #tpu.memory_space<vmem>>, vector<256x256xbf16>
    %dot_general3A_80 = arith.constant dense<0.000000e+00> : vector<8192x256xf32>
    %dot_general3A_81 = tpu.matmul %max3A_76, %get3A_79, %dot_general3A_80 {dimension_numbers = #tpu.dot_dimension_numbers<[1], [0], [0], [1], [0, 0, 1, 1], [], []>, transpose_lhs_hint = false} : vector<8192x256xbf16>, vector<256x256xbf16>, vector<8192x256xf32> -> vector<8192x256xf32>
    %get3A_82 = arith.constant 0 : index
    %get3A_83 = arith.constant 0 : index
    %get3A_84 = vector.load %arg12[%get3A_82, %get3A_83] : memref<1x256xf32, #tpu.memory_space<vmem>>, vector<1x256xf32>
    %add3A_85 = vector.broadcast %get3A_84 : vector<1x256xf32> to vector<8192x256xf32>
    %add3A_86 = arith.addf %dot_general3A_81, %add3A_85 : vector<8192x256xf32>
    %max3A_87 = arith.constant 0.000000e+00 : f32
    %max3A_88 = vector.broadcast %max3A_87 : f32 to vector<8192x256xf32>
    %max3A_89 = arith.maximumf %add3A_86, %max3A_88 : vector<8192x256xf32>
    %reshape3A = vector.shape_cast %max3A_89 : vector<8192x256xf32> to vector<64x128x256xf32>
    %get3A_90 = arith.constant 0 : index
    %get3A_91 = arith.constant 0 : index
    %get3A_92 = arith.constant 0 : index
    %get3A_93 = vector.load %arg13[%get3A_90, %get3A_91, %get3A_92] : memref<1x1x256xf32, #tpu.memory_space<vmem>>, vector<1x1x256xf32>
    %mul3A = vector.broadcast %get3A_93 : vector<1x1x256xf32> to vector<64x128x256xf32>
    %mul3A_94 = arith.mulf %reshape3A, %mul3A : vector<64x128x256xf32>
    %reduce_sum3A = arith.constant dense<0.000000e+00> : vector<64x128xf32>
    %reduce_sum3A_95 = vector.multi_reduction <add>, %mul3A_94, %reduce_sum3A [2] : vector<64x128x256xf32> to vector<64x128xf32>
    %get3A_96 = arith.constant 0 : index
    %get3A_97 = arith.constant 0 : index
    %get3A_98 = vector.load %arg14[%get3A_96, %get3A_97] : memref<1x1xf32, #tpu.memory_space<vmem>>, vector<1x1xf32>
    %add3A_99 = vector.broadcast %get3A_98 : vector<1x1xf32> to vector<64x128xf32>
    %add3A_100 = arith.addf %reduce_sum3A_95, %add3A_99 : vector<64x128xf32>
    %neg3A = arith.constant 0.000000e+00 : f32
    %neg3A_101 = vector.broadcast %neg3A : f32 to vector<64x128xf32>
    %neg3A_102 = arith.subf %neg3A_101, %add3A_100 : vector<64x128xf32>
    %exp3A = math.exp %neg3A_102 : vector<64x128xf32>
    %add3A_103 = arith.constant 1.000000e+00 : f32
    %add3A_104 = vector.broadcast %add3A_103 : f32 to vector<64x128xf32>
    %add3A_105 = arith.addf %add3A_104, %exp3A : vector<64x128xf32>
    %div3A = arith.constant 1.000000e+00 : f32
    %div3A_106 = vector.broadcast %div3A : f32 to vector<64x128xf32>
    %div3A_107 = arith.divf %div3A_106, %add3A_105 : vector<64x128xf32>
    %swap3A = arith.constant 0 : index
    %swap3A_108 = arith.constant 0 : index
    %swap3A_109 = vector.load %arg15[%swap3A, %swap3A_108] : memref<64x128xf32, #tpu.memory_space<vmem>>, vector<64x128xf32>
    tpu.vector_store %arg15[%swap3A, %swap3A_108], %div3A_107 {strides = array<i32>} : memref<64x128xf32, #tpu.memory_space<vmem>>, vector<64x128xf32>,
    return
  }
  func.func @transform_0(%arg0: i32) -> (i32, i32) {
    %c0_i32 = arith.constant 0 : i32
    %c0_i32_0 = arith.constant 0 : i32
    return %arg0, %c0_i32 : i32, i32
  }
  func.func @transform_1(%arg0: i32) -> (i32, i32) {
    %c0_i32 = arith.constant 0 : i32
    %c0_i32_0 = arith.constant 0 : i32
    return %arg0, %c0_i32 : i32, i32
  }
  func.func @transform_2(%arg0: i32) -> (i32, i32) {
    %c0_i32 = arith.constant 0 : i32
    %c0_i32_0 = arith.constant 0 : i32
    %c0_i32_1 = arith.constant 0 : i32
    return %c0_i32, %c0_i32_0 : i32, i32
  }
  func.func @transform_3(%arg0: i32) -> (i32, i32) {
    %c0_i32 = arith.constant 0 : i32
    %c0_i32_0 = arith.constant 0 : i32
    %c0_i32_1 = arith.constant 0 : i32
    return %c0_i32, %c0_i32_0 : i32, i32
  }
  func.func @transform_4(%arg0: i32) -> (i32, i32) {
    %c0_i32 = arith.constant 0 : i32
    %c0_i32_0 = arith.constant 0 : i32
    %c0_i32_1 = arith.constant 0 : i32
    return %c0_i32, %c0_i32_0 : i32, i32
  }
  func.func @transform_5(%arg0: i32) -> (i32, i32) {
    %c0_i32 = arith.constant 0 : i32
    %c0_i32_0 = arith.constant 0 : i32
    %c0_i32_1 = arith.constant 0 : i32
    return %c0_i32, %c0_i32_0 : i32, i32
  }
  func.func @transform_6(%arg0: i32) -> (i32, i32) {
    %c0_i32 = arith.constant 0 : i32
    %c0_i32_0 = arith.constant 0 : i32
    %c0_i32_1 = arith.constant 0 : i32
    return %c0_i32, %c0_i32_0 : i32, i32
  }
  func.func @transform_7(%arg0: i32) -> (i32, i32) {
    %c0_i32 = arith.constant 0 : i32
    %c0_i32_0 = arith.constant 0 : i32
    %c0_i32_1 = arith.constant 0 : i32
    return %c0_i32, %c0_i32_0 : i32, i32
  }
  func.func @transform_8(%arg0: i32) -> (i32, i32) {
    %c0_i32 = arith.constant 0 : i32
    %c0_i32_0 = arith.constant 0 : i32
    %c0_i32_1 = arith.constant 0 : i32
    return %c0_i32, %c0_i32_0 : i32, i32
  }
  func.func @transform_9(%arg0: i32) -> (i32, i32) {
    %c0_i32 = arith.constant 0 : i32
    %c0_i32_0 = arith.constant 0 : i32
    %c0_i32_1 = arith.constant 0 : i32
    return %c0_i32, %c0_i32_0 : i32, i32
  }
  func.func @transform_10(%arg0: i32) -> (i32, i32) {
    %c0_i32 = arith.constant 0 : i32
    %c0_i32_0 = arith.constant 0 : i32
    %c0_i32_1 = arith.constant 0 : i32
    return %c0_i32, %c0_i32_0 : i32, i32
  }
  func.func @transform_11(%arg0: i32) -> (i32, i32) {
    %c0_i32 = arith.constant 0 : i32
    %c0_i32_0 = arith.constant 0 : i32
    %c0_i32_1 = arith.constant 0 : i32
    return %c0_i32, %c0_i32_0 : i32, i32
  }
  func.func @transform_12(%arg0: i32) -> (i32, i32, i32) {
    %c0_i32 = arith.constant 0 : i32
    %c0_i32_0 = arith.constant 0 : i32
    %c0_i32_1 = arith.constant 0 : i32
    %c0_i32_2 = arith.constant 0 : i32
    return %c0_i32, %c0_i32_0, %c0_i32_1 : i32, i32, i32
  }
  func.func @transform_13(%arg0: i32) -> (i32, i32) {
    %c0_i32 = arith.constant 0 : i32
    %c0_i32_0 = arith.constant 0 : i32
    %c0_i32_1 = arith.constant 0 : i32
    return %c0_i32, %c0_i32_0 : i32, i32
  }
  func.func @transform_14(%arg0: i32) -> (i32, i32) {
    %c0_i32 = arith.constant 0 : i32
    %c0_i32_0 = arith.constant 0 : i32
    return %arg0, %c0_i32 : i32, i32
  }
}

</mosaic_0001>

<sc_bundles>
// kernel: kernel.4.cloned.1.call-start
scs
__scs_entry_jumppad:
0x0: {  	(pc) =	sbr.rel $0x88, $3  }
0x1: {  	(tag) =	ssettag $0x0;
	lr =	simm.s32 $0x1  }
0x2: {  	[smem:$0x3F91] =	sst lr;
	_ =	strace $0xD0000000  }
0x3: {  	_ = 	snop  }
0x4: {  	_ = 	snop  }
0x5: {  	_ = 	snop  }
0x6: {  	_ = 	snop  }
0x7: {  	_ = 	snop  }
__scs_overlays_trampoline_lowered:
0x8: {  	[smem:$0x3FA0] =	sst s0  }
0x9: {  	[smem:$0x3FA1] =	sst s1  }
0xa: {  	[smem:$0x3FA2] =	sst s2  }
0xb: {  	[smem:$0x3FA3] =	sst s3  }
0xc: {  	[smem:$0x3FA4] =	sst s4  }
0xd: {  	[smem:$0x3FA5] =	sst s5  }
0xe: {  	[smem:$0x3FA6] =	sst s6  }
0xf: {  	[smem:$0x3FA7] =	sst s7  }
0x10: {  	[smem:$0x3FA8] =	sst s8  }
0x11: {  	[smem:$0x3FA9] =	sst s9;
	s0 =	simm.s32 @!p0 $0x0  }
0x12: {  	s1 =	sld [smem:$0x3F8F];
	s0 =	simm.s32 @p0 $0x1  }
0x13: {  	[smem:$0x3FAA] =	sst s0;
	s0 =	simm.s32 @!p1 $0x0  }
0x14: {  	s2 =	sld [smem:$0x3F8E];
	s0 =	simm.s32 @p1 $0x1  }
0x15: {  	[smem:$0x3FAB] =	sst s0;
	s0 =	simm.s32 @!p2 $0x0  }
0x16: {  	s3 =	sld [smem:$0x3FDB];
	s0 =	simm.s32 @p2 $0x1  }
0x17: {  	s4 =	simm.s32 $0x1BF5;
	[smem:$0x3FAD] =	sst s0  }
0x18: {  	s0 =	sld [smem:$0x3F90];
	_ =	swait.ge [sflag:s4], $0x0  }
0x19: {  	s7 =	sld [smem:$0x3F91]  }
0x1a: {  	s8 =	sadd.s32 $0xFFFFE003, lr  }
0x1b: {  	s9 =	sadd.s32 $0xFFFFFEF7, lr;
	s5 =	simm.s32 $0xFFFFFFFF;
	p2 =	slt.u32 s8, $0xFFFFF086  }
0x1c: {  	p1 =	slt.u32 s9, $0xF7A;
	s5 =	simm.s32 @!p2 $0x0  }
0x1d: {  	s5 =	simm.s32 @p1 $0x1;
	p0 =	seq.s32 s7, s2  }
0x1e: {  	s7 =	smul.u32 @!p0 $0xF7A, s2;
	p2 =	seq.s32 @!p0 s5, $0x0  }
0x1f: {  	s9 =	smul.u32 $0xF7A, s1;
	s8 =	simm.s32 @!p0 $0x1BF5;
	p2 =	por !p2, p0  }
0x20: {  	[sflag:s8] =	ssyncset.s32 @!p0 $0xFFFFF086;
	s6 =	sadd.s32 @!p0 s3, s7;
	s7 =	simm.s32 @!p0 $0x108  }
0x21: {  	s3 =	sadd.s32 s3, s9;
	s6 =	sadd.s32 @!p0 $0x88, s6;
	s7 =	simm.s32 @p2 $0x1082  }
0x22: {  	[simem:s7], [sflag:s8] =	dma.local @!p0 [hbm:s6], $0xF7A  }
0x23: {  	s9 =	sor.u32 $0xD0000000, s2;
	s6 =	simm.s32 $0x108;
	_ =	swait.ge @!p0 [sflag:s8], $0x0  }
0x24: {  	s3 =	sadd.s32 $0x88, s3;
	s6 =	simm.s32 @!p1 $0x1082;
	[sflag:s4] =	ssyncset.s32 $0xFFFFF086  }
0x25: {  	[simem:s6], [sflag:s4] =	dma.local [hbm:s3], $0xF7A  }
0x26: {  	[smem:$0x3F91] =	sst s1;
	(tag) =	ssettag s2;
	_ =	strace s9  }
0x27: {  	s1 =	sld [smem:$0x3FA1]  }
0x28: {  	s2 =	sld [smem:$0x3FA2]  }
0x29: {  	s4 =	sld [smem:$0x3FA4]  }
0x2a: {  	p0 =	seq.s32 s5, $0x0;
	s5 =	sld [smem:$0x3FA5]  }
0x2b: {  	s6 =	sld [smem:$0x3FA6]  }
0x2c: {  	s7 =	sld [smem:$0x3FA7]  }
0x2d: {  	s3 =	simm.s32 $0x108;
	s8 =	sld [smem:$0x3FA8]  }
0x2e: {  	s3 =	simm.s32 @!p0 $0x1082;
	s9 =	sld [smem:$0x3FA9]  }
0x2f: {  	lr =	sadd.s32 s0, s3;
	s0 =	sld [smem:$0x3FA0]  }
0x30: {  	s3 =	sld [smem:$0x3FA3]  }
0x31: {  	[smem:$0x3FAC] =	sst s10  }
0x32: {  	s10 =	sld [smem:$0x3FAA];
	_ =	sdelay $0x3  }
0x33: {  	p0 =	seq.s32 s10, $0x1;
	s10 =	sld [smem:$0x3FAC];
	_ =	sdelay $0x3  }
0x34: {  	[smem:$0x3FAC] =	sst s10  }
0x35: {  	s10 =	sld [smem:$0x3FAB];
	_ =	sdelay $0x3  }
0x36: {  	p1 =	seq.s32 s10, $0x1;
	s10 =	sld [smem:$0x3FAC];
	_ =	sdelay $0x3  }
0x37: {  	[smem:$0x3FAC] =	sst s10  }
0x38: {  	s10 =	sld [smem:$0x3FAD]  }
0x39: {  	_ = 	snop;
	(pc) =	sbr.ind lr, $3  }
0x3a: {  	_ = 	snop  }
0x3b: {  	_ = 	snop  }
0x3c: {  	p2 =	seq.s32 s10, $0x1;
	s10 =	sld [smem:$0x3FAC]  }
0x3d: {  	_ =	shalt  }
0x3e: {  	_ =	shalt  }
0x3f: {  	_ =	shalt  }
0x40: {  	_ =	shalt  }
0x41: {  	_ =	shalt  }
0x42: {  	_ =	shalt  }
0x43: {  	_ =	shalt  }
0x44: {  	_ =	shalt  }
0x45: {  	_ =	shalt  }
0x46: {  	_ =	shalt  }
0x47: {  	_ =	shalt  }
0x48: {  	_ =	shalt  }
0x49: {  	_ =	shalt  }
0x4a: {  	_ =	shalt  }
0x4b: {  	_ =	shalt  }
0x4c: {  	_ =	shalt  }
0x4d: {  	_ =	shalt  }
0x4e: {  	_ =	shalt  }
0x4f: {  	_ =	shalt  }
0x50: {  	_ =	shalt  }
0x51: {  	_ =	shalt  }
0x52: {  	_ =	shalt  }
0x53: {  	_ =	shalt  }
0x54: {  	_ =	shalt  }
0x55: {  	_ =	shalt  }
0x56: {  	_ =	shalt  }
0x57: {  	_ =	shalt  }
0x58: {  	_ =	shalt  }
0x59: {  	_ =	shalt  }
0x5a: {  	_ =	shalt  }
0x5b: {  	_ =	shalt  }
0x5c: {  	_ =	shalt  }
0x5d: {  	_ =	shalt  }
0x5e: {  	_ =	shalt  }
0x5f: {  	_ =	shalt  }
0x60: {  	_ =	shalt  }
0x61: {  	_ =	shalt  }
0x62: {  	_ =	shalt  }
0x63: {  	_ =	shalt  }
0x64: {  	_ =	shalt  }
0x65: {  	_ =	shalt  }
0x66: {  	_ =	shalt  }
0x67: {  	_ =	shalt  }
0x68: {  	_ =	shalt  }
0x69: {  	_ =	shalt  }
0x6a: {  	_ =	shalt  }
0x6b: {  	_ =	shalt  }
0x6c: {  	_ =	shalt  }
0x6d: {  	_ =	shalt  }
0x6e: {  	_ =	shalt  }
0x6f: {  	_ =	shalt  }
0x70: {  	_ =	shalt  }
0x71: {  	_ =	shalt  }
0x72: {  	_ =	shalt  }
0x73: {  	_ =	shalt  }
0x74: {  	_ =	shalt  }
0x75: {  	_ =	shalt  }
0x76: {  	_ =	shalt  }
0x77: {  	_ =	shalt  }
0x78: {  	_ =	shalt  }
0x79: {  	_ =	shalt  }
0x7a: {  	_ =	shalt  }
0x7b: {  	_ =	shalt  }
0x7c: {  	_ =	shalt  }
0x7d: {  	_ =	shalt  }
0x7e: {  	_ =	shalt  }
0x7f: {  	_ =	shalt  }
0x80: {  	_ =	shalt  }
0x81: {  	_ =	shalt  }
0x82: {  	_ =	shalt  }
0x83: {  	_ =	shalt  }
0x84: {  	_ =	shalt  }
0x85: {  	_ =	shalt  }
0x86: {  	_ =	shalt  }
0x87: {  	_ =	shalt  }
.Lfunc_end0:
.L_simem_size_0:
called_computation_lowered:
.L_overlay_start_0:
0x88: {  	s2 =	sld [smem:$0x3FD9]  }
0x89: {  	s3 =	sld [smem:$0x3FFE];
	_ =	sdelay $0x1  }
0x8a: {  	s1 =	srdreg.scid  }
0x8b: {  	s0 =	sand.u32 $0x1, s1  }
0x8c: {  	s17 =	sshll.u32 s0, $0xA;
	s2 =	sadd.s32 s3, s2  }
0x8d: {  	s2 =	sadd.s32 s2, s17  }
0x8e: {  	[smem:$0x3FB8] =	sst s2  }
0x8f: {  	_ = 	snop  }
0x90: {  	s2 =	sld [smem:$0x3FD0];
	(tm) =	ssettm $0x1  }
0x91: {  	s18 =	sld [smem:$0x3FFB];
	_ =	sdelay $0x3  }
0x92: {  	_ =	strace s18  }
0x93: {  	s3 =	sld [smem:$0x3FFC];
	_ =	sdelay $0x3  }
0x94: {  	_ =	strace s3  }
0x95: {  	s3 =	sld [smem:$0x3FFD];
	_ =	sdelay $0x3  }
0x96: {  	_ =	strace s3  }
0x97: {  	_ =	strace $0x8FFFFFFF  }
0x98: {  	s19 =	sld [smem:$0x3FDB];
	_ =	sdelay $0x1  }
0x99: {  	s4 =	simm.s32 $_scs_section_size  }
0x9a: {  	s5 =	simm.s32 $_size__tile_overlayer_lowered;
	s6 =	simm.s32 $_tile_overlayer_lowered  }
0x9b: {  	s22 =	simm.s32 $0x1BFF;
	s21 =	sshll.u32 s6, $0x1;
	s3 =	sadd.s32 s4, s19  }
0x9c: {  	s7 =	simm.s32 $0x0;
	s20 =	sshll.u32 s5, $0x1;
	s5 =	sadd.s32 s21, s3  }
0x9d: {  	[timem:s7], [sflag:s22] =	dma.local [hbm:s5], s20  }
0x9e: {  	_ =	swait.ge [sflag:s22], s20  }
0x9f: {  	s4 =	ssub.s32 $0x0, s20;
	[sflag:s22] =	ssyncset.done $0x0  }
0xa0: {  	[sflag:s22] =	ssyncadd.s32 s4;
	_ =	sdelay $0x1  }
0xa1: {  	s23 =	simm.s32 $0x1B8B  }
0xa2: {  	_ =	swait.ge [sflag:s23], $0x1  }
0xa3: {  	[sflag:s23] =	ssyncset.done $0x0  }
0xa4: {  	s25 =	simm.s32 $0x1B8E;
	s24 =	sld [smem:$0x3FFE];
	[sflag:s23] =	ssyncadd.s32 $0xFFFFFFFF  }
0xa5: {  	s26 =	simm.s32 $execute0_lowered;
	[smem:$0x3FD2] =	sst s25  }
0xa6: {  	s5 =	sshll.u32 s26, $0x1;
	_ =	strace $0x80000046;
	[dreg:$0x1] =	wrdreg $0xFFFFFFFF  }
0xa7: {  	s28 =	simm.s32 $_size_execute0_lowered;
	s3 =	sadd.s32 s3, s5;
	[dreg:$0x0] =	wrdreg $0x0  }
0xa8: {  	s5 =	sshll.u32 s28, $0x1;
	[dreg:$0x2] =	wrdreg s3  }
0xa9: {  	[dreg:$0x3] =	wrdreg s5  }
0xaa: {  	[dreg:$0x4] =	wrdreg $0xC0  }
0xab: {  	_ =	task [dreg:s7], $0x5FFFF  }
0xac: {  	[dreg:$0x1] =	wrdreg $0xFFFFFFFF  }
0xad: {  	[dreg:$0x0] =	wrdreg $0x60  }
0xae: {  	[dreg:$0x2] =	wrdreg s2  }
0xaf: {  	[dreg:$0x3] =	wrdreg s24  }
0xb0: {  	[dreg:$0x4] =	wrdreg $0x9  }
0xb1: {  	_ =	task.clear_ibuf [dreg:s7], $0x5FFFF;
	_ =	strace $0x90000046  }
0xb2: {  	s29 =	simm.s32 $0x9;
	_ =	strace $0x80000048  }
0xb3: {  	_ =	swait.ge [sflag:s29], $0x1  }
0xb4: {  	[sflag:s29] =	ssyncadd.s32 $0xFFFFFFFF  }
0xb5: {  	_ =	strace $0x90000048  }
0xb6: {  	_ =	sfence  }
0xb7: {  	s30 =	sld [smem:$0x0];
	_ =	sdelay $0x2  }
0xb8: {  	s31 =	sshll.u32 s1, $0xD;
	s1 =	sshrl.u32 s1, $0x2  }
0xb9: {  	s3 =	sand.u32 $0x4000, s31;
	s1 =	sadd.s32 s1, s30  }
0xba: {  	s0 =	sor.u32 s3, s0;
	s1 =	sshll.u32 s1, $0x11  }
0xbb: {  	s0 =	sor.u32 s1, s0  }
0xbc: {  	s0 =	sadd.s32 $0x8F2B, s0  }
0xbd: {  	[sflag:s0] =	ssyncadd.remote.s32 $0x1  }
0xbe: {  	_ =	sfence.sel $0xFFFF  }
0xbf: {  	[dreg:$0x0] =	wrdreg $0xFFFFFFFF;
	(pc) =	sbr.abs _section_cstart, $3  }
0xc0: {  	[dreg:$0x1] =	wrdreg $0xFFFFFFFF  }
0xc1: {  	_ =	task.clear_ibuf [dreg:s7], $0x2FFFF;
	_ =	strace $0x9FFFFFFF  }
0xc2: {  	(tm) =	ssettm $0x7FFFFFFF  }
0xc3: {  	_ =	shalt  }
tec
execute0_lowered:
.L_overlay_start_1:
0x0: {  	(tag) =	ssettag $0x1  }
0x1: {  	s4 =	rddreg [dreg:$0x0]  }
0x2: {  	s3 =	rddreg [dreg:$0x1];
	s2 =	simm.s32 $0x0  }
0x3: {  	s11 =	simm.s32 $0x100;
	[smem:$0x7FF] =	sst s2  }
0x4: {  	s12 =	simm.s32 $0x180;
	_ =	strace $0x80000047;
	[dreg:$0x10] =	wrdreg s11  }
0x5: {  	s0 =	srdreg.scid;
	s13 =	simm.s32 $0x200;
	[dreg:$0x11] =	wrdreg s12  }
0x6: {  	s18 =	stileid.u32;
	s14 =	simm.s32 $0x280;
	[dreg:$0x12] =	wrdreg s13  }
0x7: {  	s15 =	simm.s32 $0x300;
	s16 =	simm.s32 $0x380;
	[dreg:$0x13] =	wrdreg s14  }
0x8: {  	s1 =	sand.u32 $0x1, s0;
	s17 =	sshll.u32 s18, $0x1;
	[dreg:$0x14] =	wrdreg s15  }
0x9: {  	s0 =	sor.u32 s1, s17;
	[dreg:$0x15] =	wrdreg s16;
	s17 =	simm.s32 $0x400  }
0xa: {  	s11 =	simm.s32 $0xB80;
	[dreg:$0x16] =	wrdreg s17  }
0xb: {  	s12 =	simm.s32 $0xC00;
	[smem:$0x7EF] =	sst s11  }
0xc: {  	s13 =	simm.s32 $0xC80;
	[smem:$0x7F0] =	sst s12  }
0xd: {  	s14 =	simm.s32 $0xD00;
	s5 =	smul.u32 $0x1900, s0;
	[smem:$0x7F1] =	sst s13  }
0xe: {  	s15 =	simm.s32 $0xD80;
	s6 =	smul.u32 $0x320, s0;
	[smem:$0x7F2] =	sst s14  }
0xf: {  	s16 =	simm.s32 $0xE00;
	s19 =	smul.u32 $0x32000, s0;
	[smem:$0x7F3] =	sst s15  }
0x10: {  	s0 =	smul.u32 $0x6400, s0;
	[smem:$0x7F4] =	sst s16;
	s17 =	simm.s32 $0xE80  }
0x11: {  	s7 =	sadd.s32 $0x35A00, s3;
	[smem:$0x7F5] =	sst s17;
	s4 =	sadd.s32 s4, s6  }
0x12: {  	s5 =	sadd.s32 s5, s3;
	s0 =	sadd.s32 s7, s0;
	[dreg:$0x3] =	wrdreg s4  }
0x13: {  	s22 =	sshrl.u32 s19, $0x3;
	s19 =	simm.s32 $0x480;
	[dreg:$0x6] =	wrdreg s0  }
0x14: {  	s20 =	sadd.s32 $0x3A00, s5;
	[dreg:$0x17] =	wrdreg s19  }
0x15: {  	s21 =	sadd.s32 $0xFDA00, s5;
	[dreg:$0x4] =	wrdreg s20  }
0x16: {  	s23 =	sadd.s32 s7, s22;
	s22 =	simm.s32 $0x600;
	[dreg:$0x5] =	wrdreg s21  }
0x17: {  	s4 =	simm.s32 $0x880;
	[dreg:$0x1a] =	wrdreg s22  }
0x18: {  	s19 =	simm.s32 $0xF00;
	[dreg:$0x1f] =	wrdreg s4  }
0x19: {  	[smem:$0x7F6] =	sst s19  }
0x1a: {  	s31 =	simm.s32 $0x1900;
	s24 =	sadd.s32 $0xA00, s23;
	s0 =	rddreg [dreg:$0x3]  }
0x1b: {  	s30 =	simm.s32 $0x1300;
	s25 =	sadd.s32 $0x1400, s23;
	[dreg:$0x7] =	wrdreg s24  }
0x1c: {  	s28 =	simm.s32 $0x1580;
	s26 =	sadd.s32 $0x1E00, s23;
	[dreg:$0x8] =	wrdreg s25  }
0x1d: {  	p0 =	por $0x0, $0x0;
	s5 =	sadd.s32 $0x2800, s23;
	[dreg:$0x9] =	wrdreg s26  }
0x1e: {  	s29 =	simm.s32 $0x1600;
	s6 =	sadd.s32 $0x3200, s23;
	[dreg:$0xa] =	wrdreg s5  }
0x1f: {  	s1 =	ssub.s32 $0x2, s1;
	s7 =	sadd.s32 $0x3C00, s23;
	[dreg:$0xb] =	wrdreg s6  }
0x20: {  	s12 =	simm.s32 $0x11100;
	s8 =	sadd.s32 $0x4600, s23;
	[dreg:$0xc] =	wrdreg s7  }
0x21: {  	s14 =	simm.s32 $0x12100;
	s9 =	sadd.s32 $0x5000, s23;
	[dreg:$0xd] =	wrdreg s8  }
0x22: {  	s13 =	simm.s32 $0x15100;
	s10 =	sadd.s32 $0x5A00, s23;
	[dreg:$0xe] =	wrdreg s9  }
0x23: {  	s15 =	simm.s32 $0x16100;
	s20 =	simm.s32 $0x500;
	[dreg:$0xf] =	wrdreg s10  }
0x24: {  	s16 =	simm.s32 $0x1;
	s21 =	simm.s32 $0x580;
	[dreg:$0x18] =	wrdreg s20  }
0x25: {  	s11 =	simm.s32 $0x2;
	s23 =	simm.s32 $0x680;
	[dreg:$0x19] =	wrdreg s21  }
0x26: {  	s17 =	simm.s32 $0x17100;
	s22 =	simm.s32 $0x1080;
	[dreg:$0x1b] =	wrdreg s23  }
0x27: {  	s4 =	sadd.s32 $0x1BC400, s3;
	s24 =	simm.s32 $0x700;
	[smem:$0x7F9] =	sst s22  }
0x28: {  	s3 =	simm.s32 $0x3;
	s25 =	simm.s32 $0x780;
	[dreg:$0x1c] =	wrdreg s24  }
0x29: {  	s19 =	simm.s32 $0x1680;
	s26 =	simm.s32 $0x800;
	[dreg:$0x1d] =	wrdreg s25  }
0x2a: {  	s5 =	simm.s32 $0x900;
	s6 =	simm.s32 $0x980;
	[dreg:$0x1e] =	wrdreg s26  }
0x2b: {  	s7 =	simm.s32 $0xA00;
	s8 =	sshrl.u32 s1, $0x1;
	[smem:$0x7EA] =	sst s5  }
0x2c: {  	s9 =	simm.s32 $0xA80;
	s10 =	simm.s32 $0xB00;
	[smem:$0x7EB] =	sst s6  }
0x2d: {  	s20 =	simm.s32 $0xF80;
	s21 =	simm.s32 $0x1000;
	[smem:$0x7EC] =	sst s7  }
0x2e: {  	s23 =	simm.s32 $0x1100;
	s22 =	simm.s32 $0x1800;
	[smem:$0x7ED] =	sst s9  }
0x2f: {  	s1 =	ssub.s32 s1, s8;
	[smem:$0x7EE] =	sst s10;
	s6 =	simm.s32 $0x80  }
0x30: {  	s5 =	simm.s32 $0xE100;
	s8 =	simm.s32 $0xF100;
	s9 =	simm.s32 $0x10100  }
0x31: {  	s7 =	simm.s32 $0x13100;
	[smem:$0x7F7] =	sst s20;
	s1 =	smax.u32 s1, $0x1  }
0x32: {  	s10 =	simm.s32 $0x14100;
	[smem:$0x7F8] =	sst s21;
	p1 =	sne.s32 s1, $0x1  }
.Ltmp0:
0x33: {  	[smem:$0x7FA] =	sst s23;
	s24 =	simm.s32 $0x1180;
	(pc) =	sbr.rel @!p1 .LBB2_1-.Ltmp0, $4  }
0x34: {  	s25 =	simm.s32 $0x1200;
	s26 =	simm.s32 $0x1280;
	[smem:$0x7FB] =	sst s24  }
0x35: {  	s20 =	simm.s32 $0x1700;
	s21 =	simm.s32 $0x1780;
	[smem:$0x7FC] =	sst s25  }
0x36: {  	s23 =	simm.s32 $0x1880;
	[smem:$0x7FD] =	sst s26;
	s24 =	simm.s32 $0x1380  }
0x37: {  	s25 =	simm.s32 $0x1480;
	s26 =	simm.s32 $0x1500;
	s1 =	sadd.s32 $0xFFFFFFFF, s1  }
0x38: {  	[tilespmem:s2], [sflag:$0x3] =	stream.linear.gather [hbm4b:s0+s2], $0x1900, $0x38;
	[tilespmem:$0x18100] =	vst v63  }
0x39: {  	_ =	swait.ge [sflag:s3], $0x1900  }
0x3a: {  	[sflag:s3] =	ssyncset.done $0x0  }
0x3b: {  	s18 =	rddreg [dreg:$0x4];
	[sflag:s3] =	ssyncadd.s32 $0xFFFFE700  }
0x3c: {  	[tilespmem:s31], [sflag:$0x3] =	stream.linear.gather [hbm4b:s18+s2], $0xC800, $0x38;
	[tilespmem:$0x18100] =	vst v63  }
0x3d: {  	_ =	swait.ge [sflag:s3], $0xC800  }
0x3e: {  	[sflag:s3] =	ssyncset.done $0x0  }
0x3f: {  	s18 =	rddreg [dreg:$0x5];
	[sflag:s3] =	ssyncadd.s32 $0xFFFF3800  }
0x40: {  	[hbm4b:s18+s2] =	stream.linear.scatter [tilespmem:s31], [sflag:$0x3], $0xC800, $0x38;
	[tilespmem:$0x18100] =	vst v63  }
0x41: {  	_ =	swait.ge [sflag:s3], $0xC800  }
0x42: {  	[sflag:s3] =	ssyncset.done $0x0  }
0x43: {  	[sflag:s3] =	ssyncadd.s32 $0xFFFF3800  }
0x44: {  	[tilespmem:s5], [sflag:$0x1] =	stream.indirect.gather [hbm4b:s4+s6], $0x20, s2, s6, $0xb8;
	[tilespmem:$0x18100] =	vst v63  }
0x45: {  	_ = 	snop  }
0x46: {  	[tilespmem:s8], [sflag:$0x1] =	stream.indirect.gather [hbm4b:s4+s6], $0x20, s6, s6, $0xb8;
	[tilespmem:$0x18100] =	vst v63  }
0x47: {  	s0 =	rddreg [dreg:$0x10]  }
0x48: {  	[tilespmem:s9], [sflag:$0x1] =	stream.indirect.gather [hbm4b:s4+s6], $0x20, s0, s6, $0xb8;
	[tilespmem:$0x18100] =	vst v63  }
0x49: {  	s18 =	smov.u32 s1;
	s1 =	rddreg [dreg:$0x11]  }
0x4a: {  	[tilespmem:s12], [sflag:$0x1] =	stream.indirect.gather [hbm4b:s4+s6], $0x20, s1, s6, $0xb8;
	[tilespmem:$0x18100] =	vst v63  }
0x4b: {  	s0 =	rddreg [dreg:$0x12]  }
0x4c: {  	[tilespmem:s14], [sflag:$0x1] =	stream.indirect.gather [hbm4b:s4+s6], $0x20, s0, s6, $0xb8;
	[tilespmem:$0x18100] =	vst v63  }
0x4d: {  	s1 =	rddreg [dreg:$0x13]  }
0x4e: {  	[tilespmem:s7], [sflag:$0x2] =	stream.indirect.gather [hbm4b:s4+s6], $0x20, s1, s6, $0xb8;
	[tilespmem:$0x18100] =	vst v63  }
0x4f: {  	s0 =	rddreg [dreg:$0x14]  }
0x50: {  	[tilespmem:s10], [sflag:$0x2] =	stream.indirect.gather [hbm4b:s4+s6], $0x20, s0, s6, $0xb8;
	[tilespmem:$0x18100] =	vst v63  }
0x51: {  	s1 =	rddreg [dreg:$0x15]  }
0x52: {  	[tilespmem:s13], [sflag:$0x2] =	stream.indirect.gather [hbm4b:s4+s6], $0x20, s1, s6, $0xb8;
	[tilespmem:$0x18100] =	vst v63  }
0x53: {  	s0 =	rddreg [dreg:$0x16]  }
0x54: {  	[tilespmem:s15], [sflag:$0x2] =	stream.indirect.gather [hbm4b:s4+s6], $0x20, s0, s6, $0xb8;
	[tilespmem:$0x18100] =	vst v63  }
0x55: {  	s1 =	rddreg [dreg:$0x17]  }
0x56: {  	[tilespmem:s17], [sflag:$0x2] =	stream.indirect.gather [hbm4b:s4+s6], $0x20, s1, s6, $0xb8;
	[tilespmem:$0x18100] =	vst v63  }
0x57: {  	_ =	swait.ge [sflag:s16], $0x5000  }
0x58: {  	[sflag:s16] =	ssyncset.done $0x0  }
0x59: {  	s1 =	rddreg [dreg:$0x6];
	[sflag:s16] =	ssyncadd.s32 $0xFFFFB000  }
0x5a: {  	[hbm4b:s1+s2] =	stream.linear.scatter [tilespmem:s5], [sflag:$0x3], $0x5000, $0x38;
	[tilespmem:$0x18100] =	vst v63  }
0x5b: {  	_ =	swait.ge [sflag:s3], $0x5000  }
0x5c: {  	[sflag:s3] =	ssyncset.done $0x0  }
0x5d: {  	s0 =	rddreg [dreg:$0x18];
	[sflag:s3] =	ssyncadd.s32 $0xFFFFB000  }
0x5e: {  	[tilespmem:s5], [sflag:$0x1] =	stream.indirect.gather [hbm4b:s4+s6], $0x20, s0, s6, $0xb8;
	[tilespmem:$0x18100] =	vst v63  }
0x5f: {  	s1 =	rddreg [dreg:$0x19]  }
0x60: {  	[tilespmem:s8], [sflag:$0x1] =	stream.indirect.gather [hbm4b:s4+s6], $0x20, s1, s6, $0xb8;
	[tilespmem:$0x18100] =	vst v63  }
0x61: {  	s0 =	rddreg [dreg:$0x1a]  }
0x62: {  	[tilespmem:s9], [sflag:$0x1] =	stream.indirect.gather [hbm4b:s4+s6], $0x20, s0, s6, $0xb8;
	[tilespmem:$0x18100] =	vst v63  }
0x63: {  	s1 =	rddreg [dreg:$0x1b]  }
0x64: {  	[tilespmem:s12], [sflag:$0x1] =	stream.indirect.gather [hbm4b:s4+s6], $0x20, s1, s6, $0xb8;
	[tilespmem:$0x18100] =	vst v63  }
0x65: {  	s0 =	rddreg [dreg:$0x1c]  }
0x66: {  	[tilespmem:s14], [sflag:$0x1] =	stream.indirect.gather [hbm4b:s4+s6], $0x20, s0, s6, $0xb8;
	[tilespmem:$0x18100] =	vst v63  }
0x67: {  	_ =	swait.ge [sflag:s11], $0x5000  }
0x68: {  	[sflag:s11] =	ssyncset.done $0x0  }
0x69: {  	s1 =	rddreg [dreg:$0x7];
	[sflag:s11] =	ssyncadd.s32 $0xFFFFB000  }
0x6a: {  	[hbm4b:s1+s2] =	stream.linear.scatter [tilespmem:s7], [sflag:$0x3], $0x5000, $0x38;
	[tilespmem:$0x18100] =	vst v63  }
0x6b: {  	_ =	swait.ge [sflag:s3], $0x5000  }
0x6c: {  	s0 =	rddreg [dreg:$0x1d];
	[sflag:s3] =	ssyncset.done $0x0  }
0x6d: {  	s1 =	rddreg [dreg:$0x1e];
	[sflag:s3] =	ssyncadd.s32 $0xFFFFB000  }
0x6e: {  	[tilespmem:s7], [sflag:$0x2] =	stream.indirect.gather [hbm4b:s4+s6], $0x20, s0, s6, $0xb8;
	[tilespmem:$0x18100] =	vst v63  }
0x6f: {  	s0 =	rddreg [dreg:$0x1f]  }
0x70: {  	[tilespmem:s10], [sflag:$0x2] =	stream.indirect.gather [hbm4b:s4+s6], $0x20, s1, s6, $0xb8;
	[tilespmem:$0x18100] =	vst v63  }
0x71: {  	s1 =	sld [smem:$0x7EA]  }
0x72: {  	[tilespmem:s13], [sflag:$0x2] =	stream.indirect.gather [hbm4b:s4+s6], $0x20, s0, s6, $0xb8;
	[tilespmem:$0x18100] =	vst v63  }
0x73: {  	s0 =	sld [smem:$0x7EB]  }
0x74: {  	[tilespmem:s15], [sflag:$0x2] =	stream.indirect.gather [hbm4b:s4+s6], $0x20, s1, s6, $0xb8;
	[tilespmem:$0x18100] =	vst v63  }
0x75: {  	_ = 	snop  }
0x76: {  	[tilespmem:s17], [sflag:$0x2] =	stream.indirect.gather [hbm4b:s4+s6], $0x20, s0, s6, $0xb8;
	[tilespmem:$0x18100] =	vst v63  }
0x77: {  	_ =	swait.ge [sflag:s16], $0x5000  }
0x78: {  	[sflag:s16] =	ssyncset.done $0x0  }
0x79: {  	s1 =	rddreg [dreg:$0x8];
	[sflag:s16] =	ssyncadd.s32 $0xFFFFB000  }
0x7a: {  	[hbm4b:s1+s2] =	stream.linear.scatter [tilespmem:s5], [sflag:$0x3], $0x5000, $0x38;
	[tilespmem:$0x18100] =	vst v63  }
0x7b: {  	_ =	swait.ge [sflag:s3], $0x5000  }
0x7c: {  	s0 =	sld [smem:$0x7EC]  }
0x7d: {  	[sflag:s3] =	ssyncset.done $0x0  }
0x7e: {  	s1 =	sld [smem:$0x7ED];
	[sflag:s3] =	ssyncadd.s32 $0xFFFFB000  }
0x7f: {  	[tilespmem:s5], [sflag:$0x1] =	stream.indirect.gather [hbm4b:s4+s6], $0x20, s0, s6, $0xb8;
	[tilespmem:$0x18100] =	vst v63  }
0x80: {  	s0 =	sld [smem:$0x7EE]  }
0x81: {  	[tilespmem:s8], [sflag:$0x1] =	stream.indirect.gather [hbm4b:s4+s6], $0x20, s1, s6, $0xb8;
	[tilespmem:$0x18100] =	vst v63  }
0x82: {  	s1 =	sld [smem:$0x7EF]  }
0x83: {  	[tilespmem:s9], [sflag:$0x1] =	stream.indirect.gather [hbm4b:s4+s6], $0x20, s0, s6, $0xb8;
	[tilespmem:$0x18100] =	vst v63  }
0x84: {  	s0 =	sld [smem:$0x7F0]  }
0x85: {  	[tilespmem:s12], [sflag:$0x1] =	stream.indirect.gather [hbm4b:s4+s6], $0x20, s1, s6, $0xb8;
	[tilespmem:$0x18100] =	vst v63  }
0x86: {  	_ = 	snop  }
0x87: {  	[tilespmem:s14], [sflag:$0x1] =	stream.indirect.gather [hbm4b:s4+s6], $0x20, s0, s6, $0xb8;
	[tilespmem:$0x18100] =	vst v63  }
0x88: {  	_ =	swait.ge [sflag:s11], $0x5000  }
0x89: {  	[sflag:s11] =	ssyncset.done $0x0  }
0x8a: {  	s1 =	rddreg [dreg:$0x9];
	[sflag:s11] =	ssyncadd.s32 $0xFFFFB000  }
0x8b: {  	[hbm4b:s1+s2] =	stream.linear.scatter [tilespmem:s7], [sflag:$0x3], $0x5000, $0x38;
	[tilespmem:$0x18100] =	vst v63  }
0x8c: {  	_ =	swait.ge [sflag:s3], $0x5000  }
0x8d: {  	s0 =	sld [smem:$0x7F1]  }
0x8e: {  	[sflag:s3] =	ssyncset.done $0x0  }
0x8f: {  	s1 =	sld [smem:$0x7F2];
	[sflag:s3] =	ssyncadd.s32 $0xFFFFB000  }
0x90: {  	[tilespmem:s7], [sflag:$0x2] =	stream.indirect.gather [hbm4b:s4+s6], $0x20, s0, s6, $0xb8;
	[tilespmem:$0x18100] =	vst v63  }
0x91: {  	s0 =	sld [smem:$0x7F3]  }
0x92: {  	[tilespmem:s10], [sflag:$0x2] =	stream.indirect.gather [hbm4b:s4+s6], $0x20, s1, s6, $0xb8;
	[tilespmem:$0x18100] =	vst v63  }
0x93: {  	s1 =	sld [smem:$0x7F4]  }
0x94: {  	[tilespmem:s13], [sflag:$0x2] =	stream.indirect.gather [hbm4b:s4+s6], $0x20, s0, s6, $0xb8;
	[tilespmem:$0x18100] =	vst v63  }
0x95: {  	s0 =	sld [smem:$0x7F5]  }
0x96: {  	[tilespmem:s15], [sflag:$0x2] =	stream.indirect.gather [hbm4b:s4+s6], $0x20, s1, s6, $0xb8;
	[tilespmem:$0x18100] =	vst v63  }
0x97: {  	_ = 	snop  }
0x98: {  	[tilespmem:s17], [sflag:$0x2] =	stream.indirect.gather [hbm4b:s4+s6], $0x20, s0, s6, $0xb8;
	[tilespmem:$0x18100] =	vst v63  }
0x99: {  	_ =	swait.ge [sflag:s16], $0x5000  }
0x9a: {  	[sflag:s16] =	ssyncset.done $0x0  }
0x9b: {  	s1 =	rddreg [dreg:$0xa];
	[sflag:s16] =	ssyncadd.s32 $0xFFFFB000  }
0x9c: {  	[hbm4b:s1+s2] =	stream.linear.scatter [tilespmem:s5], [sflag:$0x3], $0x5000, $0x38;
	[tilespmem:$0x18100] =	vst v63  }
0x9d: {  	_ =	swait.ge [sflag:s3], $0x5000  }
0x9e: {  	s0 =	sld [smem:$0x7F6]  }
0x9f: {  	[sflag:s3] =	ssyncset.done $0x0  }
0xa0: {  	s1 =	sld [smem:$0x7F7];
	[sflag:s3] =	ssyncadd.s32 $0xFFFFB000  }
0xa1: {  	[tilespmem:s5], [sflag:$0x1] =	stream.indirect.gather [hbm4b:s4+s6], $0x20, s0, s6, $0xb8;
	[tilespmem:$0x18100] =	vst v63  }
0xa2: {  	s0 =	sld [smem:$0x7F8]  }
0xa3: {  	[tilespmem:s8], [sflag:$0x1] =	stream.indirect.gather [hbm4b:s4+s6], $0x20, s1, s6, $0xb8;
	[tilespmem:$0x18100] =	vst v63  }
0xa4: {  	s1 =	sld [smem:$0x7F9]  }
0xa5: {  	[tilespmem:s9], [sflag:$0x1] =	stream.indirect.gather [hbm4b:s4+s6], $0x20, s0, s6, $0xb8;
	[tilespmem:$0x18100] =	vst v63  }
0xa6: {  	s0 =	sld [smem:$0x7FA]  }
0xa7: {  	[tilespmem:s12], [sflag:$0x1] =	stream.indirect.gather [hbm4b:s4+s6], $0x20, s1, s6, $0xb8;
	[tilespmem:$0x18100] =	vst v63  }
0xa8: {  	_ = 	snop  }
0xa9: {  	[tilespmem:s14], [sflag:$0x1] =	stream.indirect.gather [hbm4b:s4+s6], $0x20, s0, s6, $0xb8;
	[tilespmem:$0x18100] =	vst v63  }
0xaa: {  	_ =	swait.ge [sflag:s11], $0x5000  }
0xab: {  	[sflag:s11] =	ssyncset.done $0x0  }
0xac: {  	s1 =	rddreg [dreg:$0xb];
	[sflag:s11] =	ssyncadd.s32 $0xFFFFB000  }
0xad: {  	[hbm4b:s1+s2] =	stream.linear.scatter [tilespmem:s7], [sflag:$0x3], $0x5000, $0x38;
	[tilespmem:$0x18100] =	vst v63  }
0xae: {  	_ =	swait.ge [sflag:s3], $0x5000  }
0xaf: {  	s0 =	sld [smem:$0x7FB]  }
0xb0: {  	[sflag:s3] =	ssyncset.done $0x0  }
0xb1: {  	s1 =	sld [smem:$0x7FC];
	[sflag:s3] =	ssyncadd.s32 $0xFFFFB000  }
0xb2: {  	[tilespmem:s7], [sflag:$0x2] =	stream.indirect.gather [hbm4b:s4+s6], $0x20, s0, s6, $0xb8;
	[tilespmem:$0x18100] =	vst v63  }
0xb3: {  	s0 =	sld [smem:$0x7FD]  }
0xb4: {  	[tilespmem:s10], [sflag:$0x2] =	stream.indirect.gather [hbm4b:s4+s6], $0x20, s1, s6, $0xb8;
	[tilespmem:$0x18100] =	vst v63  }
0xb5: {  	_ = 	snop  }
0xb6: {  	[tilespmem:s13], [sflag:$0x2] =	stream.indirect.gather [hbm4b:s4+s6], $0x20, s0, s6, $0xb8;
	[tilespmem:$0x18100] =	vst v63  }
0xb7: {  	_ = 	snop  }
0xb8: {  	[tilespmem:s15], [sflag:$0x2] =	stream.indirect.gather [hbm4b:s4+s6], $0x20, s30, s6, $0xb8;
	[tilespmem:$0x18100] =	vst v63  }
0xb9: {  	_ = 	snop  }
0xba: {  	[tilespmem:s17], [sflag:$0x2] =	stream.indirect.gather [hbm4b:s4+s6], $0x20, s24, s6, $0xb8;
	[tilespmem:$0x18100] =	vst v63  }
0xbb: {  	_ =	swait.ge [sflag:s16], $0x5000  }
0xbc: {  	[sflag:s16] =	ssyncset.done $0x0  }
0xbd: {  	s1 =	rddreg [dreg:$0xc];
	[sflag:s16] =	ssyncadd.s32 $0xFFFFB000  }
0xbe: {  	[hbm4b:s1+s2] =	stream.linear.scatter [tilespmem:s5], [sflag:$0x3], $0x5000, $0x38;
	[tilespmem:$0x18100] =	vst v63  }
0xbf: {  	_ =	swait.ge [sflag:s3], $0x5000  }
0xc0: {  	[sflag:s3] =	ssyncset.done $0x0  }
0xc1: {  	s1 =	simm.s32 $0x1400;
	[sflag:s3] =	ssyncadd.s32 $0xFFFFB000  }
0xc2: {  	[tilespmem:s5], [sflag:$0x1] =	stream.indirect.gather [hbm4b:s4+s6], $0x20, s1, s6, $0xb8;
	[tilespmem:$0x18100] =	vst v63  }
0xc3: {  	_ = 	snop  }
0xc4: {  	[tilespmem:s8], [sflag:$0x1] =	stream.indirect.gather [hbm4b:s4+s6], $0x20, s25, s6, $0xb8;
	[tilespmem:$0x18100] =	vst v63  }
0xc5: {  	_ = 	snop  }
0xc6: {  	[tilespmem:s9], [sflag:$0x1] =	stream.indirect.gather [hbm4b:s4+s6], $0x20, s26, s6, $0xb8;
	[tilespmem:$0x18100] =	vst v63  }
0xc7: {  	_ = 	snop  }
0xc8: {  	[tilespmem:s12], [sflag:$0x1] =	stream.indirect.gather [hbm4b:s4+s6], $0x20, s28, s6, $0xb8;
	[tilespmem:$0x18100] =	vst v63  }
0xc9: {  	_ = 	snop  }
0xca: {  	[tilespmem:s14], [sflag:$0x1] =	stream.indirect.gather [hbm4b:s4+s6], $0x20, s29, s6, $0xb8;
	[tilespmem:$0x18100] =	vst v63  }
0xcb: {  	_ =	swait.ge [sflag:s11], $0x5000  }
0xcc: {  	[sflag:s11] =	ssyncset.done $0x0  }
0xcd: {  	s1 =	rddreg [dreg:$0xd];
	[sflag:s11] =	ssyncadd.s32 $0xFFFFB000  }
0xce: {  	[hbm4b:s1+s2] =	stream.linear.scatter [tilespmem:s7], [sflag:$0x3], $0x5000, $0x38;
	[tilespmem:$0x18100] =	vst v63  }
0xcf: {  	_ =	swait.ge [sflag:s3], $0x5000  }
0xd0: {  	[sflag:s3] =	ssyncset.done $0x0  }
0xd1: {  	[sflag:s3] =	ssyncadd.s32 $0xFFFFB000  }
0xd2: {  	[tilespmem:s7], [sflag:$0x2] =	stream.indirect.gather [hbm4b:s4+s6], $0x20, s19, s6, $0xb8;
	[tilespmem:$0x18100] =	vst v63  }
0xd3: {  	_ = 	snop  }
0xd4: {  	[tilespmem:s10], [sflag:$0x2] =	stream.indirect.gather [hbm4b:s4+s6], $0x20, s20, s6, $0xb8;
	[tilespmem:$0x18100] =	vst v63  }
0xd5: {  	_ = 	snop  }
0xd6: {  	[tilespmem:s13], [sflag:$0x2] =	stream.indirect.gather [hbm4b:s4+s6], $0x20, s21, s6, $0xb8;
	[tilespmem:$0x18100] =	vst v63  }
0xd7: {  	_ = 	snop  }
0xd8: {  	[tilespmem:s15], [sflag:$0x2] =	stream.indirect.gather [hbm4b:s4+s6], $0x20, s22, s6, $0xb8;
	[tilespmem:$0x18100] =	vst v63  }
0xd9: {  	_ = 	snop  }
0xda: {  	[tilespmem:s17], [sflag:$0x2] =	stream.indirect.gather [hbm4b:s4+s6], $0x20, s23, s6, $0xb8;
	[tilespmem:$0x18100] =	vst v63  }
0xdb: {  	_ =	swait.ge [sflag:s16], $0x5000  }
0xdc: {  	[sflag:s16] =	ssyncset.done $0x0  }
0xdd: {  	s1 =	rddreg [dreg:$0xe];
	[sflag:s16] =	ssyncadd.s32 $0xFFFFB000  }
0xde: {  	[hbm4b:s1+s2] =	stream.linear.scatter [tilespmem:s5], [sflag:$0x3], $0x5000, $0x38;
	[tilespmem:$0x18100] =	vst v63  }
0xdf: {  	_ =	swait.ge [sflag:s3], $0x5000  }
0xe0: {  	[sflag:s3] =	ssyncset.done $0x0  }
0xe1: {  	[sflag:s3] =	ssyncadd.s32 $0xFFFFB000  }
0xe2: {  	p1 =	sne.s32 s18, $0x1;
	_ =	swait.ge [sflag:s11], $0x5000  }
.Ltmp1:
0xe3: {  	[sflag:s11] =	ssyncset.done $0x0;
	(pc) =	sbr.rel @!p1 .LBB2_3-.Ltmp1, $4  }
0xe4: {  	s1 =	rddreg [dreg:$0xf];
	[sflag:s11] =	ssyncadd.s32 $0xFFFFB000  }
0xe5: {  	[hbm4b:s1+s2] =	stream.linear.scatter [tilespmem:s7], [sflag:$0x3], $0x5000, $0x38;
	[tilespmem:$0x18100] =	vst v63  }
0xe6: {  	p0 =	por $0x1, $0x1;
	_ =	swait.ge [sflag:s3], $0x5000  }
0xe7: {  	s1 =	sadd.s32 $0xFFFFFFFF, s18;
	s0 =	rddreg [dreg:$0x3];
	[sflag:s3] =	ssyncset.done $0x0  }
.LBB2_4:
0xe8: {  	[sflag:s3] =	ssyncadd.s32 $0xFFFFB000  }
0xe9: {  	[tilespmem:s2], [sflag:$0x3] =	stream.linear.gather [hbm4b:s0+s2], $0x1900, $0x38;
	[tilespmem:$0x18100] =	vst v63  }
0xea: {  	_ =	swait.ge [sflag:s3], $0x1900  }
0xeb: {  	[sflag:s3] =	ssyncset.done $0x0  }
0xec: {  	s18 =	rddreg [dreg:$0x4];
	[sflag:s3] =	ssyncadd.s32 $0xFFFFE700  }
0xed: {  	[tilespmem:s31], [sflag:$0x3] =	stream.linear.gather [hbm4b:s18+s2], $0xC800, $0x38;
	[tilespmem:$0x18100] =	vst v63  }
0xee: {  	_ =	swait.ge [sflag:s3], $0xC800  }
0xef: {  	[sflag:s3] =	ssyncset.done $0x0  }
0xf0: {  	s18 =	rddreg [dreg:$0x5];
	[sflag:s3] =	ssyncadd.s32 $0xFFFF3800  }
0xf1: {  	[hbm4b:s18+s2] =	stream.linear.scatter [tilespmem:s31], [sflag:$0x3], $0xC800, $0x38;
	[tilespmem:$0x18100] =	vst v63  }
0xf2: {  	_ =	swait.ge [sflag:s3], $0xC800  }
0xf3: {  	[sflag:s3] =	ssyncset.done $0x0  }
0xf4: {  	[sflag:s3] =	ssyncadd.s32 $0xFFFF3800  }
0xf5: {  	[tilespmem:s5], [sflag:$0x1] =	stream.indirect.gather [hbm4b:s4+s6], $0x20, s2, s6, $0xb8;
	[tilespmem:$0x18100] =	vst v63  }
0xf6: {  	_ = 	snop  }
0xf7: {  	[tilespmem:s8], [sflag:$0x1] =	stream.indirect.gather [hbm4b:s4+s6], $0x20, s6, s6, $0xb8;
	[tilespmem:$0x18100] =	vst v63  }
0xf8: {  	s0 =	rddreg [dreg:$0x10]  }
0xf9: {  	[tilespmem:s9], [sflag:$0x1] =	stream.indirect.gather [hbm4b:s4+s6], $0x20, s0, s6, $0xb8;
	[tilespmem:$0x18100] =	vst v63  }
0xfa: {  	s18 =	rddreg [dreg:$0x11]  }
0xfb: {  	[tilespmem:s12], [sflag:$0x1] =	stream.indirect.gather [hbm4b:s4+s6], $0x20, s18, s6, $0xb8;
	[tilespmem:$0x18100] =	vst v63  }
0xfc: {  	s0 =	rddreg [dreg:$0x12]  }
0xfd: {  	[tilespmem:s14], [sflag:$0x1] =	stream.indirect.gather [hbm4b:s4+s6], $0x20, s0, s6, $0xb8;
	[tilespmem:$0x18100] =	vst v63  }
0xfe: {  	s18 =	rddreg [dreg:$0x13]  }
0xff: {  	[tilespmem:s7], [sflag:$0x2] =	stream.indirect.gather [hbm4b:s4+s6], $0x20, s18, s6, $0xb8;
	[tilespmem:$0x18100] =	vst v63  }
0x100: {  	s0 =	rddreg [dreg:$0x14]  }
0x101: {  	[tilespmem:s10], [sflag:$0x2] =	stream.indirect.gather [hbm4b:s4+s6], $0x20, s0, s6, $0xb8;
	[tilespmem:$0x18100] =	vst v63  }
0x102: {  	s18 =	rddreg [dreg:$0x15]  }
0x103: {  	[tilespmem:s13], [sflag:$0x2] =	stream.indirect.gather [hbm4b:s4+s6], $0x20, s18, s6, $0xb8;
	[tilespmem:$0x18100] =	vst v63  }
0x104: {  	s0 =	rddreg [dreg:$0x16]  }
0x105: {  	[tilespmem:s15], [sflag:$0x2] =	stream.indirect.gather [hbm4b:s4+s6], $0x20, s0, s6, $0xb8;
	[tilespmem:$0x18100] =	vst v63  }
0x106: {  	s18 =	rddreg [dreg:$0x17]  }
0x107: {  	[tilespmem:s17], [sflag:$0x2] =	stream.indirect.gather [hbm4b:s4+s6], $0x20, s18, s6, $0xb8;
	[tilespmem:$0x18100] =	vst v63  }
0x108: {  	_ =	swait.ge [sflag:s16], $0x5000  }
0x109: {  	[sflag:s16] =	ssyncset.done $0x0  }
0x10a: {  	s18 =	rddreg [dreg:$0x6];
	[sflag:s16] =	ssyncadd.s32 $0xFFFFB000  }
0x10b: {  	[hbm4b:s18+s2] =	stream.linear.scatter [tilespmem:s5], [sflag:$0x3], $0x5000, $0x38;
	[tilespmem:$0x18100] =	vst v63  }
0x10c: {  	_ =	swait.ge [sflag:s3], $0x5000  }
0x10d: {  	[sflag:s3] =	ssyncset.done $0x0  }
0x10e: {  	s0 =	rddreg [dreg:$0x18];
	[sflag:s3] =	ssyncadd.s32 $0xFFFFB000  }
0x10f: {  	[tilespmem:s5], [sflag:$0x1] =	stream.indirect.gather [hbm4b:s4+s6], $0x20, s0, s6, $0xb8;
	[tilespmem:$0x18100] =	vst v63  }
0x110: {  	s18 =	rddreg [dreg:$0x19]  }
0x111: {  	[tilespmem:s8], [sflag:$0x1] =	stream.indirect.gather [hbm4b:s4+s6], $0x20, s18, s6, $0xb8;
	[tilespmem:$0x18100] =	vst v63  }
0x112: {  	s0 =	rddreg [dreg:$0x1a]  }
0x113: {  	[tilespmem:s9], [sflag:$0x1] =	stream.indirect.gather [hbm4b:s4+s6], $0x20, s0, s6, $0xb8;
	[tilespmem:$0x18100] =	vst v63  }
0x114: {  	s18 =	rddreg [dreg:$0x1b]  }
0x115: {  	[tilespmem:s12], [sflag:$0x1] =	stream.indirect.gather [hbm4b:s4+s6], $0x20, s18, s6, $0xb8;
	[tilespmem:$0x18100] =	vst v63  }
0x116: {  	s0 =	rddreg [dreg:$0x1c]  }
0x117: {  	[tilespmem:s14], [sflag:$0x1] =	stream.indirect.gather [hbm4b:s4+s6], $0x20, s0, s6, $0xb8;
	[tilespmem:$0x18100] =	vst v63  }
0x118: {  	_ =	swait.ge [sflag:s11], $0x5000  }
0x119: {  	[sflag:s11] =	ssyncset.done $0x0  }
0x11a: {  	s18 =	rddreg [dreg:$0x7];
	[sflag:s11] =	ssyncadd.s32 $0xFFFFB000  }
0x11b: {  	[hbm4b:s18+s2] =	stream.linear.scatter [tilespmem:s7], [sflag:$0x3], $0x5000, $0x38;
	[tilespmem:$0x18100] =	vst v63  }
0x11c: {  	_ =	swait.ge [sflag:s3], $0x5000  }
0x11d: {  	s0 =	rddreg [dreg:$0x1d];
	[sflag:s3] =	ssyncset.done $0x0  }
0x11e: {  	s18 =	rddreg [dreg:$0x1e];
	[sflag:s3] =	ssyncadd.s32 $0xFFFFB000  }
0x11f: {  	[tilespmem:s7], [sflag:$0x2] =	stream.indirect.gather [hbm4b:s4+s6], $0x20, s0, s6, $0xb8;
	[tilespmem:$0x18100] =	vst v63  }
0x120: {  	s0 =	rddreg [dreg:$0x1f]  }
0x121: {  	[tilespmem:s10], [sflag:$0x2] =	stream.indirect.gather [hbm4b:s4+s6], $0x20, s18, s6, $0xb8;
	[tilespmem:$0x18100] =	vst v63  }
0x122: {  	s18 =	sld [smem:$0x7EA]  }
0x123: {  	[tilespmem:s13], [sflag:$0x2] =	stream.indirect.gather [hbm4b:s4+s6], $0x20, s0, s6, $0xb8;
	[tilespmem:$0x18100] =	vst v63  }
0x124: {  	s0 =	sld [smem:$0x7EB]  }
0x125: {  	[tilespmem:s15], [sflag:$0x2] =	stream.indirect.gather [hbm4b:s4+s6], $0x20, s18, s6, $0xb8;
	[tilespmem:$0x18100] =	vst v63  }
0x126: {  	_ = 	snop  }
0x127: {  	[tilespmem:s17], [sflag:$0x2] =	stream.indirect.gather [hbm4b:s4+s6], $0x20, s0, s6, $0xb8;
	[tilespmem:$0x18100] =	vst v63  }
0x128: {  	_ =	swait.ge [sflag:s16], $0x5000  }
0x129: {  	[sflag:s16] =	ssyncset.done $0x0  }
0x12a: {  	s18 =	rddreg [dreg:$0x8];
	[sflag:s16] =	ssyncadd.s32 $0xFFFFB000  }
0x12b: {  	[hbm4b:s18+s2] =	stream.linear.scatter [tilespmem:s5], [sflag:$0x3], $0x5000, $0x38;
	[tilespmem:$0x18100] =	vst v63  }
0x12c: {  	_ =	swait.ge [sflag:s3], $0x5000  }
0x12d: {  	s0 =	sld [smem:$0x7EC]  }
0x12e: {  	[sflag:s3] =	ssyncset.done $0x0  }
0x12f: {  	s18 =	sld [smem:$0x7ED];
	[sflag:s3] =	ssyncadd.s32 $0xFFFFB000  }
0x130: {  	[tilespmem:s5], [sflag:$0x1] =	stream.indirect.gather [hbm4b:s4+s6], $0x20, s0, s6, $0xb8;
	[tilespmem:$0x18100] =	vst v63  }
0x131: {  	s0 =	sld [smem:$0x7EE]  }
0x132: {  	[tilespmem:s8], [sflag:$0x1] =	stream.indirect.gather [hbm4b:s4+s6], $0x20, s18, s6, $0xb8;
	[tilespmem:$0x18100] =	vst v63  }
0x133: {  	s18 =	sld [smem:$0x7EF]  }
0x134: {  	[tilespmem:s9], [sflag:$0x1] =	stream.indirect.gather [hbm4b:s4+s6], $0x20, s0, s6, $0xb8;
	[tilespmem:$0x18100] =	vst v63  }
0x135: {  	s0 =	sld [smem:$0x7F0]  }
0x136: {  	[tilespmem:s12], [sflag:$0x1] =	stream.indirect.gather [hbm4b:s4+s6], $0x20, s18, s6, $0xb8;
	[tilespmem:$0x18100] =	vst v63  }
0x137: {  	_ = 	snop  }
0x138: {  	[tilespmem:s14], [sflag:$0x1] =	stream.indirect.gather [hbm4b:s4+s6], $0x20, s0, s6, $0xb8;
	[tilespmem:$0x18100] =	vst v63  }
0x139: {  	_ =	swait.ge [sflag:s11], $0x5000  }
0x13a: {  	[sflag:s11] =	ssyncset.done $0x0  }
0x13b: {  	s18 =	rddreg [dreg:$0x9];
	[sflag:s11] =	ssyncadd.s32 $0xFFFFB000  }
0x13c: {  	[hbm4b:s18+s2] =	stream.linear.scatter [tilespmem:s7], [sflag:$0x3], $0x5000, $0x38;
	[tilespmem:$0x18100] =	vst v63  }
0x13d: {  	_ =	swait.ge [sflag:s3], $0x5000  }
0x13e: {  	s0 =	sld [smem:$0x7F1]  }
0x13f: {  	[sflag:s3] =	ssyncset.done $0x0  }
0x140: {  	s18 =	sld [smem:$0x7F2];
	[sflag:s3] =	ssyncadd.s32 $0xFFFFB000  }
0x141: {  	[tilespmem:s7], [sflag:$0x2] =	stream.indirect.gather [hbm4b:s4+s6], $0x20, s0, s6, $0xb8;
	[tilespmem:$0x18100] =	vst v63  }
0x142: {  	s0 =	sld [smem:$0x7F3]  }
0x143: {  	[tilespmem:s10], [sflag:$0x2] =	stream.indirect.gather [hbm4b:s4+s6], $0x20, s18, s6, $0xb8;
	[tilespmem:$0x18100] =	vst v63  }
0x144: {  	s18 =	sld [smem:$0x7F4]  }
0x145: {  	[tilespmem:s13], [sflag:$0x2] =	stream.indirect.gather [hbm4b:s4+s6], $0x20, s0, s6, $0xb8;
	[tilespmem:$0x18100] =	vst v63  }
0x146: {  	s0 =	sld [smem:$0x7F5]  }
0x147: {  	[tilespmem:s15], [sflag:$0x2] =	stream.indirect.gather [hbm4b:s4+s6], $0x20, s18, s6, $0xb8;
	[tilespmem:$0x18100] =	vst v63  }
0x148: {  	_ = 	snop  }
0x149: {  	[tilespmem:s17], [sflag:$0x2] =	stream.indirect.gather [hbm4b:s4+s6], $0x20, s0, s6, $0xb8;
	[tilespmem:$0x18100] =	vst v63  }
0x14a: {  	_ =	swait.ge [sflag:s16], $0x5000  }
0x14b: {  	[sflag:s16] =	ssyncset.done $0x0  }
0x14c: {  	s18 =	rddreg [dreg:$0xa];
	[sflag:s16] =	ssyncadd.s32 $0xFFFFB000  }
0x14d: {  	[hbm4b:s18+s2] =	stream.linear.scatter [tilespmem:s5], [sflag:$0x3], $0x5000, $0x38;
	[tilespmem:$0x18100] =	vst v63  }
0x14e: {  	_ =	swait.ge [sflag:s3], $0x5000  }
0x14f: {  	s0 =	sld [smem:$0x7F6]  }
0x150: {  	[sflag:s3] =	ssyncset.done $0x0  }
0x151: {  	s18 =	sld [smem:$0x7F7];
	[sflag:s3] =	ssyncadd.s32 $0xFFFFB000  }
0x152: {  	[tilespmem:s5], [sflag:$0x1] =	stream.indirect.gather [hbm4b:s4+s6], $0x20, s0, s6, $0xb8;
	[tilespmem:$0x18100] =	vst v63  }
0x153: {  	s0 =	sld [smem:$0x7F8]  }
0x154: {  	[tilespmem:s8], [sflag:$0x1] =	stream.indirect.gather [hbm4b:s4+s6], $0x20, s18, s6, $0xb8;
	[tilespmem:$0x18100] =	vst v63  }
0x155: {  	s18 =	sld [smem:$0x7F9]  }
0x156: {  	[tilespmem:s9], [sflag:$0x1] =	stream.indirect.gather [hbm4b:s4+s6], $0x20, s0, s6, $0xb8;
	[tilespmem:$0x18100] =	vst v63  }
0x157: {  	s0 =	sld [smem:$0x7FA]  }
0x158: {  	[tilespmem:s12], [sflag:$0x1] =	stream.indirect.gather [hbm4b:s4+s6], $0x20, s18, s6, $0xb8;
	[tilespmem:$0x18100] =	vst v63  }
0x159: {  	_ = 	snop  }
0x15a: {  	[tilespmem:s14], [sflag:$0x1] =	stream.indirect.gather [hbm4b:s4+s6], $0x20, s0, s6, $0xb8;
	[tilespmem:$0x18100] =	vst v63  }
0x15b: {  	_ =	swait.ge [sflag:s11], $0x5000  }
0x15c: {  	[sflag:s11] =	ssyncset.done $0x0  }
0x15d: {  	s18 =	rddreg [dreg:$0xb];
	[sflag:s11] =	ssyncadd.s32 $0xFFFFB000  }
0x15e: {  	[hbm4b:s18+s2] =	stream.linear.scatter [tilespmem:s7], [sflag:$0x3], $0x5000, $0x38;
	[tilespmem:$0x18100] =	vst v63  }
0x15f: {  	_ =	swait.ge [sflag:s3], $0x5000  }
0x160: {  	s0 =	sld [smem:$0x7FB]  }
0x161: {  	[sflag:s3] =	ssyncset.done $0x0  }
0x162: {  	s18 =	sld [smem:$0x7FC];
	[sflag:s3] =	ssyncadd.s32 $0xFFFFB000  }
0x163: {  	[tilespmem:s7], [sflag:$0x2] =	stream.indirect.gather [hbm4b:s4+s6], $0x20, s0, s6, $0xb8;
	[tilespmem:$0x18100] =	vst v63  }
0x164: {  	s0 =	sld [smem:$0x7FD]  }
0x165: {  	[tilespmem:s10], [sflag:$0x2] =	stream.indirect.gather [hbm4b:s4+s6], $0x20, s18, s6, $0xb8;
	[tilespmem:$0x18100] =	vst v63  }
0x166: {  	_ = 	snop  }
0x167: {  	[tilespmem:s13], [sflag:$0x2] =	stream.indirect.gather [hbm4b:s4+s6], $0x20, s0, s6, $0xb8;
	[tilespmem:$0x18100] =	vst v63  }
0x168: {  	_ = 	snop  }
0x169: {  	[tilespmem:s15], [sflag:$0x2] =	stream.indirect.gather [hbm4b:s4+s6], $0x20, s30, s6, $0xb8;
	[tilespmem:$0x18100] =	vst v63  }
0x16a: {  	_ = 	snop  }
0x16b: {  	[tilespmem:s17], [sflag:$0x2] =	stream.indirect.gather [hbm4b:s4+s6], $0x20, s24, s6, $0xb8;
	[tilespmem:$0x18100] =	vst v63  }
0x16c: {  	_ =	swait.ge [sflag:s16], $0x5000  }
0x16d: {  	[sflag:s16] =	ssyncset.done $0x0  }
0x16e: {  	s18 =	rddreg [dreg:$0xc];
	[sflag:s16] =	ssyncadd.s32 $0xFFFFB000  }
0x16f: {  	[hbm4b:s18+s2] =	stream.linear.scatter [tilespmem:s5], [sflag:$0x3], $0x5000, $0x38;
	[tilespmem:$0x18100] =	vst v63  }
0x170: {  	_ =	swait.ge [sflag:s3], $0x5000  }
0x171: {  	[sflag:s3] =	ssyncset.done $0x0  }
0x172: {  	s18 =	simm.s32 $0x1400;
	[sflag:s3] =	ssyncadd.s32 $0xFFFFB000  }
0x173: {  	[tilespmem:s5], [sflag:$0x1] =	stream.indirect.gather [hbm4b:s4+s6], $0x20, s18, s6, $0xb8;
	[tilespmem:$0x18100] =	vst v63  }
0x174: {  	_ = 	snop  }
0x175: {  	[tilespmem:s8], [sflag:$0x1] =	stream.indirect.gather [hbm4b:s4+s6], $0x20, s25, s6, $0xb8;
	[tilespmem:$0x18100] =	vst v63  }
0x176: {  	_ = 	snop  }
0x177: {  	[tilespmem:s9], [sflag:$0x1] =	stream.indirect.gather [hbm4b:s4+s6], $0x20, s26, s6, $0xb8;
	[tilespmem:$0x18100] =	vst v63  }
0x178: {  	_ = 	snop  }
0x179: {  	[tilespmem:s12], [sflag:$0x1] =	stream.indirect.gather [hbm4b:s4+s6], $0x20, s28, s6, $0xb8;
	[tilespmem:$0x18100] =	vst v63  }
0x17a: {  	_ = 	snop  }
0x17b: {  	[tilespmem:s14], [sflag:$0x1] =	stream.indirect.gather [hbm4b:s4+s6], $0x20, s29, s6, $0xb8;
	[tilespmem:$0x18100] =	vst v63  }
0x17c: {  	_ =	swait.ge [sflag:s11], $0x5000  }
0x17d: {  	[sflag:s11] =	ssyncset.done $0x0  }
0x17e: {  	s18 =	rddreg [dreg:$0xd];
	[sflag:s11] =	ssyncadd.s32 $0xFFFFB000  }
0x17f: {  	[hbm4b:s18+s2] =	stream.linear.scatter [tilespmem:s7], [sflag:$0x3], $0x5000, $0x38;
	[tilespmem:$0x18100] =	vst v63  }
0x180: {  	_ =	swait.ge [sflag:s3], $0x5000  }
0x181: {  	[sflag:s3] =	ssyncset.done $0x0  }
0x182: {  	[sflag:s3] =	ssyncadd.s32 $0xFFFFB000  }
0x183: {  	[tilespmem:s7], [sflag:$0x2] =	stream.indirect.gather [hbm4b:s4+s6], $0x20, s19, s6, $0xb8;
	[tilespmem:$0x18100] =	vst v63  }
0x184: {  	_ = 	snop  }
0x185: {  	[tilespmem:s10], [sflag:$0x2] =	stream.indirect.gather [hbm4b:s4+s6], $0x20, s20, s6, $0xb8;
	[tilespmem:$0x18100] =	vst v63  }
0x186: {  	_ = 	snop  }
0x187: {  	[tilespmem:s13], [sflag:$0x2] =	stream.indirect.gather [hbm4b:s4+s6], $0x20, s21, s6, $0xb8;
	[tilespmem:$0x18100] =	vst v63  }
0x188: {  	_ = 	snop  }
0x189: {  	[tilespmem:s15], [sflag:$0x2] =	stream.indirect.gather [hbm4b:s4+s6], $0x20, s22, s6, $0xb8;
	[tilespmem:$0x18100] =	vst v63  }
0x18a: {  	_ = 	snop  }
0x18b: {  	[tilespmem:s17], [sflag:$0x2] =	stream.indirect.gather [hbm4b:s4+s6], $0x20, s23, s6, $0xb8;
	[tilespmem:$0x18100] =	vst v63  }
0x18c: {  	_ =	swait.ge [sflag:s16], $0x5000  }
0x18d: {  	[sflag:s16] =	ssyncset.done $0x0  }
0x18e: {  	s18 =	rddreg [dreg:$0xe];
	[sflag:s16] =	ssyncadd.s32 $0xFFFFB000  }
0x18f: {  	[hbm4b:s18+s2] =	stream.linear.scatter [tilespmem:s5], [sflag:$0x3], $0x5000, $0x38;
	[tilespmem:$0x18100] =	vst v63  }
0x190: {  	_ =	swait.ge [sflag:s3], $0x5000  }
0x191: {  	[sflag:s3] =	ssyncset.done $0x0  }
0x192: {  	[sflag:s3] =	ssyncadd.s32 $0xFFFFB000  }
0x193: {  	p1 =	sne.s32 s1, $0x1;
	_ =	swait.ge [sflag:s11], $0x5000  }
.Ltmp2:
0x194: {  	[sflag:s11] =	ssyncset.done $0x0;
	(pc) =	sbr.rel @p1 .LBB2_4-.Ltmp2, $4  }
0x195: {  	s18 =	rddreg [dreg:$0xf];
	[sflag:s11] =	ssyncadd.s32 $0xFFFFB000  }
0x196: {  	[hbm4b:s18+s2] =	stream.linear.scatter [tilespmem:s7], [sflag:$0x3], $0x5000, $0x38;
	[tilespmem:$0x18100] =	vst v63  }
0x197: {  	_ =	swait.ge [sflag:s3], $0x5000  }
0x198: {  	s1 =	sadd.s32 $0xFFFFFFFF, s1;
	s0 =	rddreg [dreg:$0x3];
	[sflag:s3] =	ssyncset.done $0x0  }
0x199: {  	s23 =	simm.s32 $0x1380;
	s30 =	simm.s32 $0x1300;
	s29 =	simm.s32 $0x1600  }
0x19a: {  	s28 =	simm.s32 $0x1580;
	s26 =	simm.s32 $0x1500;
	s25 =	simm.s32 $0x1480  }
0x19b: {  	s24 =	simm.s32 $0x1400;
	s22 =	simm.s32 $0x1800;
	s21 =	simm.s32 $0x1780  }
0x19c: {  	s20 =	simm.s32 $0x1700;
	s19 =	simm.s32 $0x1680;
	s18 =	stileid.u32  }
.LBB2_6:
0x19d: {  	[sflag:s3] =	ssyncadd.s32 @p0 $0xFFFFB000  }
0x19e: {  	[tilespmem:s2], [sflag:$0x3] =	stream.linear.gather [hbm4b:s0+s2], $0x1900, $0x38;
	[tilespmem:$0x18100] =	vst v63  }
0x19f: {  	_ =	swait.ge [sflag:s3], $0x1900  }
0x1a0: {  	[sflag:s3] =	ssyncset.done $0x0  }
0x1a1: {  	s1 =	rddreg [dreg:$0x4];
	[sflag:s3] =	ssyncadd.s32 $0xFFFFE700  }
0x1a2: {  	[tilespmem:s31], [sflag:$0x3] =	stream.linear.gather [hbm4b:s1+s2], $0xC800, $0x38;
	[tilespmem:$0x18100] =	vst v63  }
0x1a3: {  	_ =	swait.ge [sflag:s3], $0xC800  }
0x1a4: {  	[sflag:s3] =	ssyncset.done $0x0  }
0x1a5: {  	s1 =	rddreg [dreg:$0x5];
	[sflag:s3] =	ssyncadd.s32 $0xFFFF3800  }
0x1a6: {  	[hbm4b:s1+s2] =	stream.linear.scatter [tilespmem:s31], [sflag:$0x3], $0xC800, $0x38;
	[tilespmem:$0x18100] =	vst v63  }
0x1a7: {  	_ =	swait.ge [sflag:s3], $0xC800  }
0x1a8: {  	[sflag:s3] =	ssyncset.done $0x0  }
0x1a9: {  	[sflag:s3] =	ssyncadd.s32 $0xFFFF3800  }
0x1aa: {  	[tilespmem:s5], [sflag:$0x1] =	stream.indirect.gather [hbm4b:s4+s6], $0x20, s2, s6, $0xb8;
	[tilespmem:$0x18100] =	vst v63  }
0x1ab: {  	_ = 	snop  }
0x1ac: {  	[tilespmem:s8], [sflag:$0x1] =	stream.indirect.gather [hbm4b:s4+s6], $0x20, s6, s6, $0xb8;
	[tilespmem:$0x18100] =	vst v63  }
0x1ad: {  	s31 =	rddreg [dreg:$0x10]  }
0x1ae: {  	[tilespmem:s9], [sflag:$0x1] =	stream.indirect.gather [hbm4b:s4+s6], $0x20, s31, s6, $0xb8;
	[tilespmem:$0x18100] =	vst v63  }
0x1af: {  	s1 =	rddreg [dreg:$0x11]  }
0x1b0: {  	[tilespmem:s12], [sflag:$0x1] =	stream.indirect.gather [hbm4b:s4+s6], $0x20, s1, s6, $0xb8;
	[tilespmem:$0x18100] =	vst v63  }
0x1b1: {  	s0 =	rddreg [dreg:$0x12]  }
0x1b2: {  	[tilespmem:s14], [sflag:$0x1] =	stream.indirect.gather [hbm4b:s4+s6], $0x20, s0, s6, $0xb8;
	[tilespmem:$0x18100] =	vst v63  }
0x1b3: {  	s31 =	rddreg [dreg:$0x13]  }
0x1b4: {  	[tilespmem:s7], [sflag:$0x2] =	stream.indirect.gather [hbm4b:s4+s6], $0x20, s31, s6, $0xb8;
	[tilespmem:$0x18100] =	vst v63  }
0x1b5: {  	s0 =	rddreg [dreg:$0x14]  }
0x1b6: {  	[tilespmem:s10], [sflag:$0x2] =	stream.indirect.gather [hbm4b:s4+s6], $0x20, s0, s6, $0xb8;
	[tilespmem:$0x18100] =	vst v63  }
0x1b7: {  	s31 =	rddreg [dreg:$0x15]  }
0x1b8: {  	[tilespmem:s13], [sflag:$0x2] =	stream.indirect.gather [hbm4b:s4+s6], $0x20, s31, s6, $0xb8;
	[tilespmem:$0x18100] =	vst v63  }
0x1b9: {  	s0 =	rddreg [dreg:$0x16]  }
0x1ba: {  	[tilespmem:s15], [sflag:$0x2] =	stream.indirect.gather [hbm4b:s4+s6], $0x20, s0, s6, $0xb8;
	[tilespmem:$0x18100] =	vst v63  }
0x1bb: {  	s31 =	rddreg [dreg:$0x17]  }
0x1bc: {  	[tilespmem:s17], [sflag:$0x2] =	stream.indirect.gather [hbm4b:s4+s6], $0x20, s31, s6, $0xb8;
	[tilespmem:$0x18100] =	vst v63  }
0x1bd: {  	_ =	swait.ge [sflag:s16], $0x5000  }
0x1be: {  	[sflag:s16] =	ssyncset.done $0x0  }
0x1bf: {  	s1 =	rddreg [dreg:$0x6];
	[sflag:s16] =	ssyncadd.s32 $0xFFFFB000  }
0x1c0: {  	[hbm4b:s1+s2] =	stream.linear.scatter [tilespmem:s5], [sflag:$0x3], $0x5000, $0x38;
	[tilespmem:$0x18100] =	vst v63  }
0x1c1: {  	_ =	swait.ge [sflag:s3], $0x5000  }
0x1c2: {  	[sflag:s3] =	ssyncset.done $0x0  }
0x1c3: {  	s31 =	rddreg [dreg:$0x18];
	[sflag:s3] =	ssyncadd.s32 $0xFFFFB000  }
0x1c4: {  	[tilespmem:s5], [sflag:$0x1] =	stream.indirect.gather [hbm4b:s4+s6], $0x20, s31, s6, $0xb8;
	[tilespmem:$0x18100] =	vst v63  }
0x1c5: {  	s1 =	rddreg [dreg:$0x19]  }
0x1c6: {  	[tilespmem:s8], [sflag:$0x1] =	stream.indirect.gather [hbm4b:s4+s6], $0x20, s1, s6, $0xb8;
	[tilespmem:$0x18100] =	vst v63  }
0x1c7: {  	s31 =	rddreg [dreg:$0x1a]  }
0x1c8: {  	[tilespmem:s9], [sflag:$0x1] =	stream.indirect.gather [hbm4b:s4+s6], $0x20, s31, s6, $0xb8;
	[tilespmem:$0x18100] =	vst v63  }
0x1c9: {  	s1 =	rddreg [dreg:$0x1b]  }
0x1ca: {  	[tilespmem:s12], [sflag:$0x1] =	stream.indirect.gather [hbm4b:s4+s6], $0x20, s1, s6, $0xb8;
	[tilespmem:$0x18100] =	vst v63  }
0x1cb: {  	s31 =	rddreg [dreg:$0x1c]  }
0x1cc: {  	[tilespmem:s14], [sflag:$0x1] =	stream.indirect.gather [hbm4b:s4+s6], $0x20, s31, s6, $0xb8;
	[tilespmem:$0x18100] =	vst v63  }
0x1cd: {  	_ =	swait.ge [sflag:s11], $0x5000  }
0x1ce: {  	[sflag:s11] =	ssyncset.done $0x0  }
0x1cf: {  	s1 =	rddreg [dreg:$0x7];
	[sflag:s11] =	ssyncadd.s32 $0xFFFFB000  }
0x1d0: {  	[hbm4b:s1+s2] =	stream.linear.scatter [tilespmem:s7], [sflag:$0x3], $0x5000, $0x38;
	[tilespmem:$0x18100] =	vst v63  }
0x1d1: {  	_ =	swait.ge [sflag:s3], $0x5000  }
0x1d2: {  	s31 =	rddreg [dreg:$0x1d];
	[sflag:s3] =	ssyncset.done $0x0  }
0x1d3: {  	s1 =	rddreg [dreg:$0x1e];
	[sflag:s3] =	ssyncadd.s32 $0xFFFFB000  }
0x1d4: {  	[tilespmem:s7], [sflag:$0x2] =	stream.indirect.gather [hbm4b:s4+s6], $0x20, s31, s6, $0xb8;
	[tilespmem:$0x18100] =	vst v63  }
0x1d5: {  	s31 =	rddreg [dreg:$0x1f]  }
0x1d6: {  	[tilespmem:s10], [sflag:$0x2] =	stream.indirect.gather [hbm4b:s4+s6], $0x20, s1, s6, $0xb8;
	[tilespmem:$0x18100] =	vst v63  }
0x1d7: {  	s1 =	sld [smem:$0x7EA]  }
0x1d8: {  	[tilespmem:s13], [sflag:$0x2] =	stream.indirect.gather [hbm4b:s4+s6], $0x20, s31, s6, $0xb8;
	[tilespmem:$0x18100] =	vst v63  }
0x1d9: {  	s31 =	sld [smem:$0x7EB]  }
0x1da: {  	[tilespmem:s15], [sflag:$0x2] =	stream.indirect.gather [hbm4b:s4+s6], $0x20, s1, s6, $0xb8;
	[tilespmem:$0x18100] =	vst v63  }
0x1db: {  	_ = 	snop  }
0x1dc: {  	[tilespmem:s17], [sflag:$0x2] =	stream.indirect.gather [hbm4b:s4+s6], $0x20, s31, s6, $0xb8;
	[tilespmem:$0x18100] =	vst v63  }
0x1dd: {  	_ =	swait.ge [sflag:s16], $0x5000  }
0x1de: {  	[sflag:s16] =	ssyncset.done $0x0  }
0x1df: {  	s1 =	rddreg [dreg:$0x8];
	[sflag:s16] =	ssyncadd.s32 $0xFFFFB000  }
0x1e0: {  	[hbm4b:s1+s2] =	stream.linear.scatter [tilespmem:s5], [sflag:$0x3], $0x5000, $0x38;
	[tilespmem:$0x18100] =	vst v63  }
0x1e1: {  	_ =	swait.ge [sflag:s3], $0x5000  }
0x1e2: {  	s31 =	sld [smem:$0x7EC]  }
0x1e3: {  	[sflag:s3] =	ssyncset.done $0x0  }
0x1e4: {  	s1 =	sld [smem:$0x7ED];
	[sflag:s3] =	ssyncadd.s32 $0xFFFFB000  }
0x1e5: {  	[tilespmem:s5], [sflag:$0x1] =	stream.indirect.gather [hbm4b:s4+s6], $0x20, s31, s6, $0xb8;
	[tilespmem:$0x18100] =	vst v63  }
0x1e6: {  	s31 =	sld [smem:$0x7EE]  }
0x1e7: {  	[tilespmem:s8], [sflag:$0x1] =	stream.indirect.gather [hbm4b:s4+s6], $0x20, s1, s6, $0xb8;
	[tilespmem:$0x18100] =	vst v63  }
0x1e8: {  	s1 =	sld [smem:$0x7EF]  }
0x1e9: {  	[tilespmem:s9], [sflag:$0x1] =	stream.indirect.gather [hbm4b:s4+s6], $0x20, s31, s6, $0xb8;
	[tilespmem:$0x18100] =	vst v63  }
0x1ea: {  	s31 =	sld [smem:$0x7F0]  }
0x1eb: {  	[tilespmem:s12], [sflag:$0x1] =	stream.indirect.gather [hbm4b:s4+s6], $0x20, s1, s6, $0xb8;
	[tilespmem:$0x18100] =	vst v63  }
0x1ec: {  	_ = 	snop  }
0x1ed: {  	[tilespmem:s14], [sflag:$0x1] =	stream.indirect.gather [hbm4b:s4+s6], $0x20, s31, s6, $0xb8;
	[tilespmem:$0x18100] =	vst v63  }
0x1ee: {  	_ =	swait.ge [sflag:s11], $0x5000  }
0x1ef: {  	[sflag:s11] =	ssyncset.done $0x0  }
0x1f0: {  	s1 =	rddreg [dreg:$0x9];
	[sflag:s11] =	ssyncadd.s32 $0xFFFFB000  }
0x1f1: {  	[hbm4b:s1+s2] =	stream.linear.scatter [tilespmem:s7], [sflag:$0x3], $0x5000, $0x38;
	[tilespmem:$0x18100] =	vst v63  }
0x1f2: {  	_ =	swait.ge [sflag:s3], $0x5000  }
0x1f3: {  	s31 =	sld [smem:$0x7F1]  }
0x1f4: {  	[sflag:s3] =	ssyncset.done $0x0  }
0x1f5: {  	s1 =	sld [smem:$0x7F2];
	[sflag:s3] =	ssyncadd.s32 $0xFFFFB000  }
0x1f6: {  	[tilespmem:s7], [sflag:$0x2] =	stream.indirect.gather [hbm4b:s4+s6], $0x20, s31, s6, $0xb8;
	[tilespmem:$0x18100] =	vst v63  }
0x1f7: {  	s31 =	sld [smem:$0x7F3]  }
0x1f8: {  	[tilespmem:s10], [sflag:$0x2] =	stream.indirect.gather [hbm4b:s4+s6], $0x20, s1, s6, $0xb8;
	[tilespmem:$0x18100] =	vst v63  }
0x1f9: {  	s1 =	sld [smem:$0x7F4]  }
0x1fa: {  	[tilespmem:s13], [sflag:$0x2] =	stream.indirect.gather [hbm4b:s4+s6], $0x20, s31, s6, $0xb8;
	[tilespmem:$0x18100] =	vst v63  }
0x1fb: {  	s31 =	sld [smem:$0x7F5]  }
0x1fc: {  	[tilespmem:s15], [sflag:$0x2] =	stream.indirect.gather [hbm4b:s4+s6], $0x20, s1, s6, $0xb8;
	[tilespmem:$0x18100] =	vst v63  }
0x1fd: {  	_ = 	snop  }
0x1fe: {  	[tilespmem:s17], [sflag:$0x2] =	stream.indirect.gather [hbm4b:s4+s6], $0x20, s31, s6, $0xb8;
	[tilespmem:$0x18100] =	vst v63  }
0x1ff: {  	_ =	swait.ge [sflag:s16], $0x5000  }
0x200: {  	[sflag:s16] =	ssyncset.done $0x0  }
0x201: {  	s1 =	rddreg [dreg:$0xa];
	[sflag:s16] =	ssyncadd.s32 $0xFFFFB000  }
0x202: {  	[hbm4b:s1+s2] =	stream.linear.scatter [tilespmem:s5], [sflag:$0x3], $0x5000, $0x38;
	[tilespmem:$0x18100] =	vst v63  }
0x203: {  	_ =	swait.ge [sflag:s3], $0x5000  }
0x204: {  	s31 =	sld [smem:$0x7F6]  }
0x205: {  	[sflag:s3] =	ssyncset.done $0x0  }
0x206: {  	s1 =	sld [smem:$0x7F7];
	[sflag:s3] =	ssyncadd.s32 $0xFFFFB000  }
0x207: {  	[tilespmem:s5], [sflag:$0x1] =	stream.indirect.gather [hbm4b:s4+s6], $0x20, s31, s6, $0xb8;
	[tilespmem:$0x18100] =	vst v63  }
0x208: {  	s31 =	sld [smem:$0x7F8]  }
0x209: {  	[tilespmem:s8], [sflag:$0x1] =	stream.indirect.gather [hbm4b:s4+s6], $0x20, s1, s6, $0xb8;
	[tilespmem:$0x18100] =	vst v63  }
0x20a: {  	s1 =	sld [smem:$0x7F9]  }
0x20b: {  	[tilespmem:s9], [sflag:$0x1] =	stream.indirect.gather [hbm4b:s4+s6], $0x20, s31, s6, $0xb8;
	[tilespmem:$0x18100] =	vst v63  }
0x20c: {  	s31 =	sld [smem:$0x7FA]  }
0x20d: {  	[tilespmem:s12], [sflag:$0x1] =	stream.indirect.gather [hbm4b:s4+s6], $0x20, s1, s6, $0xb8;
	[tilespmem:$0x18100] =	vst v63  }
0x20e: {  	_ = 	snop  }
0x20f: {  	[tilespmem:s14], [sflag:$0x1] =	stream.indirect.gather [hbm4b:s4+s6], $0x20, s31, s6, $0xb8;
	[tilespmem:$0x18100] =	vst v63  }
0x210: {  	_ =	swait.ge [sflag:s11], $0x5000  }
0x211: {  	[sflag:s11] =	ssyncset.done $0x0  }
0x212: {  	s1 =	rddreg [dreg:$0xb];
	[sflag:s11] =	ssyncadd.s32 $0xFFFFB000  }
0x213: {  	[hbm4b:s1+s2] =	stream.linear.scatter [tilespmem:s7], [sflag:$0x3], $0x5000, $0x38;
	[tilespmem:$0x18100] =	vst v63  }
0x214: {  	_ =	swait.ge [sflag:s3], $0x5000  }
0x215: {  	s31 =	sld [smem:$0x7FB]  }
0x216: {  	[sflag:s3] =	ssyncset.done $0x0  }
0x217: {  	s1 =	sld [smem:$0x7FC];
	[sflag:s3] =	ssyncadd.s32 $0xFFFFB000  }
0x218: {  	[tilespmem:s7], [sflag:$0x2] =	stream.indirect.gather [hbm4b:s4+s6], $0x20, s31, s6, $0xb8;
	[tilespmem:$0x18100] =	vst v63  }
0x219: {  	s31 =	sld [smem:$0x7FD]  }
0x21a: {  	[tilespmem:s10], [sflag:$0x2] =	stream.indirect.gather [hbm4b:s4+s6], $0x20, s1, s6, $0xb8;
	[tilespmem:$0x18100] =	vst v63  }
0x21b: {  	_ = 	snop  }
0x21c: {  	[tilespmem:s13], [sflag:$0x2] =	stream.indirect.gather [hbm4b:s4+s6], $0x20, s31, s6, $0xb8;
	[tilespmem:$0x18100] =	vst v63  }
0x21d: {  	_ = 	snop  }
0x21e: {  	[tilespmem:s15], [sflag:$0x2] =	stream.indirect.gather [hbm4b:s4+s6], $0x20, s30, s6, $0xb8;
	[tilespmem:$0x18100] =	vst v63  }
0x21f: {  	_ = 	snop  }
0x220: {  	[tilespmem:s17], [sflag:$0x2] =	stream.indirect.gather [hbm4b:s4+s6], $0x20, s23, s6, $0xb8;
	[tilespmem:$0x18100] =	vst v63  }
0x221: {  	_ =	swait.ge [sflag:s16], $0x5000  }
0x222: {  	[sflag:s16] =	ssyncset.done $0x0  }
0x223: {  	s23 =	rddreg [dreg:$0xc];
	[sflag:s16] =	ssyncadd.s32 $0xFFFFB000  }
0x224: {  	[hbm4b:s23+s2] =	stream.linear.scatter [tilespmem:s5], [sflag:$0x3], $0x5000, $0x38;
	[tilespmem:$0x18100] =	vst v63  }
0x225: {  	_ =	swait.ge [sflag:s3], $0x5000  }
0x226: {  	[sflag:s3] =	ssyncset.done $0x0  }
0x227: {  	[sflag:s3] =	ssyncadd.s32 $0xFFFFB000  }
0x228: {  	[tilespmem:s5], [sflag:$0x1] =	stream.indirect.gather [hbm4b:s4+s6], $0x20, s24, s6, $0xb8;
	[tilespmem:$0x18100] =	vst v63  }
0x229: {  	_ = 	snop  }
0x22a: {  	[tilespmem:s8], [sflag:$0x1] =	stream.indirect.gather [hbm4b:s4+s6], $0x20, s25, s6, $0xb8;
	[tilespmem:$0x18100] =	vst v63  }
0x22b: {  	_ = 	snop  }
0x22c: {  	[tilespmem:s9], [sflag:$0x1] =	stream.indirect.gather [hbm4b:s4+s6], $0x20, s26, s6, $0xb8;
	[tilespmem:$0x18100] =	vst v63  }
0x22d: {  	_ = 	snop  }
0x22e: {  	[tilespmem:s12], [sflag:$0x1] =	stream.indirect.gather [hbm4b:s4+s6], $0x20, s28, s6, $0xb8;
	[tilespmem:$0x18100] =	vst v63  }
0x22f: {  	_ = 	snop  }
0x230: {  	[tilespmem:s14], [sflag:$0x1] =	stream.indirect.gather [hbm4b:s4+s6], $0x20, s29, s6, $0xb8;
	[tilespmem:$0x18100] =	vst v63  }
0x231: {  	_ =	swait.ge [sflag:s11], $0x5000  }
0x232: {  	[sflag:s11] =	ssyncset.done $0x0  }
0x233: {  	s28 =	rddreg [dreg:$0xd];
	[sflag:s11] =	ssyncadd.s32 $0xFFFFB000  }
0x234: {  	[hbm4b:s28+s2] =	stream.linear.scatter [tilespmem:s7], [sflag:$0x3], $0x5000, $0x38;
	[tilespmem:$0x18100] =	vst v63  }
0x235: {  	_ =	swait.ge [sflag:s3], $0x5000  }
0x236: {  	[sflag:s3] =	ssyncset.done $0x0  }
0x237: {  	[sflag:s3] =	ssyncadd.s32 $0xFFFFB000  }
0x238: {  	[tilespmem:s7], [sflag:$0x2] =	stream.indirect.gather [hbm4b:s4+s6], $0x20, s19, s6, $0xb8;
	[tilespmem:$0x18100] =	vst v63  }
0x239: {  	_ = 	snop  }
0x23a: {  	[tilespmem:s10], [sflag:$0x2] =	stream.indirect.gather [hbm4b:s4+s6], $0x20, s20, s6, $0xb8;
	[tilespmem:$0x18100] =	vst v63  }
0x23b: {  	_ = 	snop  }
0x23c: {  	[tilespmem:s13], [sflag:$0x2] =	stream.indirect.gather [hbm4b:s4+s6], $0x20, s21, s6, $0xb8;
	[tilespmem:$0x18100] =	vst v63  }
0x23d: {  	_ = 	snop  }
0x23e: {  	[tilespmem:s15], [sflag:$0x2] =	stream.indirect.gather [hbm4b:s4+s6], $0x20, s22, s6, $0xb8;
	[tilespmem:$0x18100] =	vst v63  }
0x23f: {  	s29 =	simm.s32 $0x1880  }
0x240: {  	[tilespmem:s17], [sflag:$0x2] =	stream.indirect.gather [hbm4b:s4+s6], $0x20, s29, s6, $0xb8;
	[tilespmem:$0x18100] =	vst v63  }
0x241: {  	_ =	swait.ge [sflag:s16], $0x5000  }
0x242: {  	[sflag:s16] =	ssyncset.done $0x0  }
0x243: {  	s30 =	rddreg [dreg:$0xe];
	[sflag:s16] =	ssyncadd.s32 $0xFFFFB000  }
0x244: {  	[hbm4b:s30+s2] =	stream.linear.scatter [tilespmem:s5], [sflag:$0x3], $0x5000, $0x38;
	[tilespmem:$0x18100] =	vst v63  }
0x245: {  	_ =	swait.ge [sflag:s3], $0x5000  }
0x246: {  	[sflag:s3] =	ssyncset.done $0x0  }
0x247: {  	[sflag:s3] =	ssyncadd.s32 $0xFFFFB000  }
0x248: {  	_ =	swait.ge [sflag:s11], $0x5000  }
0x249: {  	[sflag:s11] =	ssyncset.done $0x0  }
0x24a: {  	s31 =	rddreg [dreg:$0xf];
	[sflag:s11] =	ssyncadd.s32 $0xFFFFB000  }
0x24b: {  	[hbm4b:s31+s2] =	stream.linear.scatter [tilespmem:s7], [sflag:$0x3], $0x5000, $0x38;
	[tilespmem:$0x18100] =	vst v63  }
0x24c: {  	_ =	swait.ge [sflag:s3], $0x5000  }
0x24d: {  	[sflag:s3] =	ssyncset.done $0x0  }
0x24e: {  	[sflag:s3] =	ssyncadd.s32 $0xFFFFB000  }
0x24f: {  	_ =	sfence.sel $0x180000  }
0x250: {  	[bflag:$0x0] =	sbarrier.arrive $0xFFFF  }
0x251: {  	_ =	strace $0x90000047  }
0x252: {  	[bflag:$0x2] =	sbarrier.arrive $0xFFFF  }
0x253: {  	p0 =	sne.s32 s18, $0x0;
	s0 =	rddreg [dreg:$0x2]  }
0x254: {  	s0 =	sadd.s32 @!p0 $0x100000, s0  }
0x255: {  	[sflag:s0] =	ssyncadd.tile.s32 @!p0 $0x1;
	_ =	shalt  }
.LBB2_1:
.Ltmp3:
0x256: {  	(pc) =	sbr.rel .LBB2_6-.Ltmp3, $4  }
0x257: {  	s23 =	simm.s32 $0x1380;
	s30 =	simm.s32 $0x1300  }
0x258: {  	s29 =	simm.s32 $0x1600;
	s28 =	simm.s32 $0x1580;
	s26 =	simm.s32 $0x1500  }
0x259: {  	s25 =	simm.s32 $0x1480;
	s24 =	simm.s32 $0x1400;
	s22 =	simm.s32 $0x1800  }
0x25a: {  	s21 =	simm.s32 $0x1780;
	s20 =	simm.s32 $0x1700;
	s19 =	simm.s32 $0x1680  }
.LBB2_3:
.Ltmp4:
0x25b: {  	(pc) =	sbr.rel .LBB2_6-.Ltmp4, $4  }
0x25c: {  	s23 =	simm.s32 $0x1380;
	s30 =	simm.s32 $0x1300;
	s29 =	simm.s32 $0x1600  }
0x25d: {  	s28 =	simm.s32 $0x1580;
	s26 =	simm.s32 $0x1500;
	s25 =	simm.s32 $0x1480  }
0x25e: {  	s24 =	simm.s32 $0x1400;
	s22 =	simm.s32 $0x1800;
	s21 =	simm.s32 $0x1780  }
0x25f: {  	s20 =	simm.s32 $0x1700;
	s19 =	simm.s32 $0x1680;
	s18 =	stileid.u32  }
.Lfunc_end2:
_tile_overlayer_lowered:
.L_overlay_start_2:
0x260: {  	(tag) =	ssettag $0x2  }
0x261: {  	s0 =	rddreg [dreg:$0x0];
	s2 =	stileid.u32  }
0x262: {  	s1 =	rddreg [dreg:$0x1];
	p0 =	sne.s32 s2, $0x0  }
0x263: {  	s3 =	rddreg [dreg:$0x2];
	[bflag:$0x3] =	sbarrier.arrive $0xFFFF;
	s2 =	simm.s32 @!p0 $0x1C03  }
0x264: {  	[timem:s3], [sflag:s2] =	dma.local @!p0 [hbm:s0], s1  }
0x265: {  	s0 =	simm.s32 @!p0 $0x3  }
0x266: {  	_ =	swait.ge @!p0 [sflag:s0], s1  }
0x267: {  	s1 =	ssub.s32 @!p0 $0x0, s1;
	[sflag:s0] =	ssyncset.done @!p0 $0x0  }
0x268: {  	[sflag:s0] =	ssyncadd.s32 @!p0 s1  }
0x269: {  	[bflag:$0x3] =	sbarrier.arrive $0xFFFF  }
0x26a: {  	_ =	shalt  }

</sc_bundles>
